<compile_context>
chip_gen: v7x
topology: tpu7x:2x2x1
jax: 0.10.2.dev20260603
libtpu: 0.0.44.dev20260713+nightly
codegen_flags: <defaults>
</compile_context>

<pallas_src>
import jax
import jax.numpy as jnp
from jax import lax
from jax.experimental import pallas as pl
from jax.experimental.pallas import tpu as pltpu
from jax.experimental.pallas import tpu_sc as plsc

N = 10000
NP = 10240
D = 128
E = 320000
NC = 2
NS = 16
NW = NC * NS
EW = E // NW
B = 80
NB = EW // B
RPT = NP // NS


def _prep_body(f_ref, w_ref, b_ref, a2w_ref, a2b_ref, t_ref, gv_ref):
    h = lax.dot_general(
        f_ref[...], w_ref[...], (((1,), (1,)), ((), ())),
        preferred_element_type=jnp.float32,
    )
    h = h + b_ref[...]
    a2 = jnp.sum(h * a2w_ref[...], axis=1, keepdims=True) + a2b_ref[0, 0]
    g = jnp.exp(a2)
    t_ref[...] = h * g
    gv_ref[...] = jnp.transpose(g)


def _make_table(features, wt, bvec, a2w, a2b):
    bm = 2048
    grid = (NP // bm,)
    return pl.pallas_call(
        _prep_body,
        grid=grid,
        in_specs=[
            pl.BlockSpec((bm, D), lambda i: (i, 0)),
            pl.BlockSpec((D, D), lambda i: (0, 0)),
            pl.BlockSpec((1, D), lambda i: (0, 0)),
            pl.BlockSpec((1, D), lambda i: (0, 0)),
            pl.BlockSpec((1, 1), lambda i: (0, 0)),
        ],
        out_specs=[
            pl.BlockSpec((bm, D), lambda i: (i, 0)),
            pl.BlockSpec((1, bm), lambda i: (0, i)),
        ],
        out_shape=[
            jax.ShapeDtypeStruct((NP, D), jnp.float32),
            jax.ShapeDtypeStruct((1, NP), jnp.float32),
        ],
    )(features, wt, bvec, a2w, a2b)


NQUAD = (NB - 1) // 4


def _edge_body(idx_hbm, t_hbm, gv_hbm, out_hbm, rs_hbm,
               ib0, ib1, ib2, ib3, r0, r1, gv, rs, acc,
               i0s, i1s, i2s, i3s, g0, g1, t0, t1):
    cid = lax.axis_index("c")
    sid = lax.axis_index("s")
    ib = (ib0, ib1, ib2, ib3)
    isem = (i0s, i1s, i2s, i3s)
    rows = (r0, r1)
    gsem = (g0, g1)
    ssem = (t0, t1)

    pltpu.sync_copy(gv_hbm.at[0], gv)

    def zrs(i, _):
        rs[pl.ds(i * 16, 16)] = jnp.zeros((16,), jnp.float32)
        return 0

    lax.fori_loop(0, NP // 16, zrs, 0)

    def zb(i, _):
        for k in range(D // 16):
            r0[i, pl.ds(k * 16, 16)] = jnp.zeros((16,), jnp.float32)
        return 0

    lax.fori_loop(0, B, zb, 0)
    for j in range(RPT // B):
        pltpu.sync_copy(r0, acc.at[pl.ds(sid * RPT + j * B, B)])
    plsc.subcore_barrier()

    ebase = (cid * NS + sid) * EW

    def idx_start(bi, j):
        pltpu.async_copy(idx_hbm.at[:, pl.ds(ebase + bi * B, B)], ib[j], isem[j])

    def idx_wait(j):
        pltpu.make_async_copy(idx_hbm.at[:, pl.ds(0, B)], ib[j], isem[j]).wait()

    def gather_start(j, b):
        pltpu.async_copy(t_hbm.at[ib[j].at[1]], rows[b], gsem[b])

    def gather_wait(j, b):
        pltpu.make_async_copy(t_hbm.at[ib[j].at[1]], rows[b], gsem[b]).wait()

    def scatter_start(j, b):
        pltpu.async_copy(rows[b], acc.at[ib[j].at[0]], ssem[b], add=True)

    def scatter_wait(j, b):
        pltpu.make_async_copy(rows[b], acc.at[ib[j].at[0]], ssem[b]).wait()

    def rowsum_batch(j):
        for g5 in range(B // 16):
            dst16 = ib[j][1, pl.ds(g5 * 16, 16)]
            src16 = ib[j][0, pl.ds(g5 * 16, 16)]
            gvals = plsc.load_gather(gv, [dst16])
            plsc.addupdate_scatter(rs, [src16], gvals)

    idx_start(0, 0)
    idx_start(1, 1)
    idx_wait(0)
    gather_start(0, 0)

    def quad(qi, _):
        i_base = qi * 4
        for k in range(4):
            i = i_base + k
            b = k % 2
            if k == 0:
                @pl.when(qi > 0)
                def _():
                    scatter_wait(3, 1)
            else:
                scatter_wait(k - 1, 1 - b)
            if k == 3:
                @pl.when(qi < NQUAD - 1)
                def _():
                    idx_start(i + 2, 1)
            else:
                idx_start(i + 2, (k + 2) % 4)
            idx_wait((k + 1) % 4)
            gather_start((k + 1) % 4, 1 - b)
            rowsum_batch(k)
            gather_wait(k, b)
            scatter_start(k, b)
        return 0

    lax.fori_loop(0, NQUAD, quad, 0)
    scatter_wait(3, 1)
    rowsum_batch(0)
    gather_wait(0, 0)
    pltpu.sync_copy(r0, acc.at[ib0.at[0]], add=True)

    plsc.subcore_barrier()
    pltpu.sync_copy(
        acc.at[pl.ds(sid * RPT, RPT)],
        out_hbm.at[cid, pl.ds(sid * RPT, RPT)],
    )
    pltpu.sync_copy(rs, rs_hbm.at[cid * NS + sid])


def _edge_accumulate(edge_index, table, gvec):
    mesh = plsc.VectorSubcoreMesh(core_axis_name="c", subcore_axis_name="s")
    f = pl.kernel(
        _edge_body,
        out_type=[
            jax.ShapeDtypeStruct((NC, NP, D), jnp.float32),
            jax.ShapeDtypeStruct((NW, NP), jnp.float32),
        ],
        mesh=mesh,
        scratch_types=(
            [pltpu.VMEM((2, B), jnp.int32)] * 4
            + [pltpu.VMEM((B, D), jnp.float32)] * 2
            + [pltpu.VMEM((NP,), jnp.float32)] * 2
            + [pltpu.VMEM_SHARED((NP, D), jnp.float32)]
            + [pltpu.SemaphoreType.DMA] * 8
        ),
        compiler_params=pltpu.CompilerParams(
            use_tc_tiling_on_sc=False, needs_layout_passes=False
        ),
    )
    return f(edge_index, table, gvec)


def _comb_body(acc_ref, rs_ref, o_ref):
    a = acc_ref[0] + acc_ref[1]
    den = jnp.sum(rs_ref[...], axis=0, keepdims=True)
    den = jnp.where(den > 0.0, den, 1.0)
    o_ref[...] = a / jnp.transpose(den)


def _combine(acc, rsum):
    bm = 2048
    grid = (NP // bm,)
    return pl.pallas_call(
        _comb_body,
        grid=grid,
        in_specs=[
            pl.BlockSpec((NC, bm, D), lambda i: (0, i, 0)),
            pl.BlockSpec((NW, bm), lambda i: (0, i)),
        ],
        out_specs=pl.BlockSpec((bm, D), lambda i: (i, 0)),
        out_shape=jax.ShapeDtypeStruct((N, D), jnp.float32),
    )(acc, rsum)


@jax.jit
def kernel(features, edge_index, W, b, a1_w, a1_b, a2_w, a2_b):
    del a1_w, a1_b
    table, gvec = _make_table(
        features,
        W,
        b.reshape(1, D),
        a2_w.reshape(1, D),
        a2_b.reshape(1, 1),
    )
    acc, rsum = _edge_accumulate(edge_index, table, gvec)
    return _combine(acc, rsum)

# --- scband reference (transcript-rebuilt; emitter-appended) ---
"""Pipeline reference for scband-satlayer-regular-76879914598957 (READ-ONLY COPY).

The authoritative reference and input builder live on the scoring server;
editing this copy changes nothing except your own understanding.
"""

import jax, jax.numpy as jnp
import numpy as np

N = 10000
E = 320000
D_IN = 128
D_OUT = 128


def setup_inputs(seed: int = 0) -> dict:
    key = jax.random.key(seed)
    ks = jax.random.split(key, 8)
    features = jax.random.normal(ks[0], (N, D_IN), dtype=jnp.float32)
    edge_index = jax.random.randint(ks[1], (2, E), 0, N, dtype=jnp.int32)
    # Learned parameters (nn.Linear layout: W is [out, in], y = x @ W.T + b)
    W = jax.random.normal(ks[2], (D_OUT, D_IN), dtype=jnp.float32) * 0.05
    b = jnp.zeros((D_OUT,), dtype=jnp.float32)
    a1_w = jax.random.normal(ks[3], (1, D_OUT), dtype=jnp.float32) * 0.05
    a1_b = jnp.zeros((1,), dtype=jnp.float32)
    a2_w = jax.random.normal(ks[4], (1, D_OUT), dtype=jnp.float32) * 0.05
    a2_b = jnp.zeros((1,), dtype=jnp.float32)
    return {
        'features': features,
        'edge_index': edge_index,
        'W': W,
        'b': b,
        'a1_w': a1_w,
        'a1_b': a1_b,
        'a2_w': a2_w,
        'a2_b': a2_b,
    }


def reference(features, edge_index, W, b, a1_w, a1_b, a2_w, a2_b):
    # features = self.layer(features)
    h = features @ W.T + b  # [N, D_OUT]
    # a_1, a_2 : [N, 1] -> squeeze to [N]
    a1 = (h @ a1_w.T + a1_b)[:, 0]
    a2 = (h @ a2_w.T + a2_b)[:, 0]
    src = edge_index[0]
    dst = edge_index[1]
    # v = (a_1 + a_2.T)[src, dst] == a1[src] + a2[dst]
    v = a1[src] + a2[dst]  # [E]
    # torch.sparse.softmax(e, dim=1): softmax over entries within each row (src)
    row_max = jax.ops.segment_max(v, src, num_segments=N)
    row_max = jnp.where(jnp.isfinite(row_max), row_max, 0.0)  # guard empty rows
    ev = jnp.exp(v - row_max[src])
    row_sum = jax.ops.segment_sum(ev, src, num_segments=N)
    attn = ev / row_sum[src]
    # output = sparse.mm(attention, h): out[i] = sum_{(i,j) in E} attn_ij * h[j]
    out = jax.ops.segment_sum(attn[:, None] * h[dst], src, num_segments=N)
    return out

if __name__ == "__main__":
    import jax
    _d = setup_inputs()
    print(jax.jit(kernel)(*tuple(_d.values())))

</pallas_src>

<mosaic_0001>
#map = affine_map<(d0, d1) -> (0, 0)>
#map1 = affine_map<(d0, d1) -> (0, 0, 0)>
module attributes {stable_mosaic.version = 14 : i64} {
  func.func @_edge_body(%arg0: i32, %arg1: i32, %arg2: memref<2x320000xi32, #tpu.memory_space<hbm>>, %arg3: memref<10240x128xf32, #tpu.memory_space<hbm>>, %arg4: memref<1x10240xf32, #tpu.memory_space<hbm>>, %arg5: memref<2x10240x128xf32, #tpu.memory_space<hbm>>, %arg6: memref<32x10240xf32, #tpu.memory_space<hbm>>, %arg7: memref<2x80xi32, #tpu.memory_space<vmem>>, %arg8: memref<2x80xi32, #tpu.memory_space<vmem>>, %arg9: memref<2x80xi32, #tpu.memory_space<vmem>>, %arg10: memref<2x80xi32, #tpu.memory_space<vmem>>, %arg11: memref<80x128xf32, #tpu.memory_space<vmem>>, %arg12: memref<80x128xf32, #tpu.memory_space<vmem>>, %arg13: memref<10240xf32, #tpu.memory_space<vmem>>, %arg14: memref<10240xf32, #tpu.memory_space<vmem>>, %arg15: memref<10240x128xf32, #tpu.memory_space<vmem_shared>>, %arg16: memref<!tpu.dma_semaphore, #tpu.memory_space<semaphore_mem>>, %arg17: memref<!tpu.dma_semaphore, #tpu.memory_space<semaphore_mem>>, %arg18: memref<!tpu.dma_semaphore, #tpu.memory_space<semaphore_mem>>, %arg19: memref<!tpu.dma_semaphore, #tpu.memory_space<semaphore_mem>>, %arg20: memref<!tpu.dma_semaphore, #tpu.memory_space<semaphore_mem>>, %arg21: memref<!tpu.dma_semaphore, #tpu.memory_space<semaphore_mem>>, %arg22: memref<!tpu.dma_semaphore, #tpu.memory_space<semaphore_mem>>, %arg23: memref<!tpu.dma_semaphore, #tpu.memory_space<semaphore_mem>>) attributes {dimension_semantics = [#tpu.dimension_semantics<core_parallel>, #tpu.dimension_semantics<subcore_parallel>], iteration_bounds = array<i64: 2, 16>, scalar_prefetch = 0 : i64, scratch_operands = 17 : i64, tpu.core_type = #tpu.core_type<sc_vector_subcore>, window_params = [{transform_indices = #map}, {transform_indices = #map}, {transform_indices = #map}, {transform_indices = #map1}, {transform_indices = #map}]} {
    %run_scoped3A = arith.constant 0 : i32
    "tpu.region"() ({
      %run_scoped3A_144 = tpu.sem_alloc : memref<!tpu.dma_semaphore, #tpu.memory_space<semaphore_mem>>
      %dma_start3A_145 = arith.constant 0 : i32
      %dma_start3A_146 = tpu.memref_slice %arg4[%run_scoped3A, %dma_start3A_145] : memref<1x10240xf32, #tpu.memory_space<hbm>> -> memref<1x10240xf32, #tpu.memory_space<hbm>>
      %dma_start3A_147 = tpu.memref_squeeze %dma_start3A_146 : memref<1x10240xf32, #tpu.memory_space<hbm>> -> memref<10240xf32, #tpu.memory_space<hbm>>
      %dma_start3A_148 = arith.constant 0 : i32
      %dma_start3A_149 = tpu.memref_slice %arg4[%run_scoped3A, %dma_start3A_148] : memref<1x10240xf32, #tpu.memory_space<hbm>> -> memref<1x10240xf32, #tpu.memory_space<hbm>>
      %dma_start3A_150 = tpu.memref_squeeze %dma_start3A_149 : memref<1x10240xf32, #tpu.memory_space<hbm>> -> memref<10240xf32, #tpu.memory_space<hbm>>
      tpu.enqueue_dma source(%dma_start3A_150 : memref<10240xf32, #tpu.memory_space<hbm>>) target(%arg13 : memref<10240xf32, #tpu.memory_space<vmem>>) target_semaphore(%run_scoped3A_144 : memref<!tpu.dma_semaphore, #tpu.memory_space<semaphore_mem>>)
      %dma_wait3A_151 = arith.constant 0 : i32
      %dma_wait3A_152 = tpu.memref_slice %arg4[%run_scoped3A, %dma_wait3A_151] : memref<1x10240xf32, #tpu.memory_space<hbm>> -> memref<1x10240xf32, #tpu.memory_space<hbm>>
      %dma_wait3A_153 = tpu.memref_squeeze %dma_wait3A_152 : memref<1x10240xf32, #tpu.memory_space<hbm>> -> memref<10240xf32, #tpu.memory_space<hbm>>
      %dma_wait3A_154 = arith.constant 0 : i32
      %dma_wait3A_155 = tpu.memref_slice %arg4[%run_scoped3A, %dma_wait3A_154] : memref<1x10240xf32, #tpu.memory_space<hbm>> -> memref<1x10240xf32, #tpu.memory_space<hbm>>
      %dma_wait3A_156 = tpu.memref_squeeze %dma_wait3A_155 : memref<1x10240xf32, #tpu.memory_space<hbm>> -> memref<10240xf32, #tpu.memory_space<hbm>>
      tpu.wait_dma2 semaphore(%run_scoped3A_144 : memref<!tpu.dma_semaphore, #tpu.memory_space<semaphore_mem>>) src(%dma_wait3A_156 : memref<10240xf32, #tpu.memory_space<hbm>>) dst(%arg13 : memref<10240xf32, #tpu.memory_space<vmem>>)
      tpu.yield
    }) : () -> ()
    %scan3A = arith.constant 0 : i32
    %scan3A_0 = arith.constant 0 : i32
    %scan3A_1 = arith.constant 640 : i32
    %scan3A_2 = arith.addi %scan3A_0, %scan3A_1 : i32
    %scan3A_3 = arith.constant 1 : i32
    %scan3A_4 = scf.for %scan3A_144 = %scan3A_0 to %scan3A_2 step %scan3A_3 iter_args(%scan3A_145 = %scan3A) -> (i32)  : i32 {
      %broadcast_in_dim3A = arith.constant 0.000000e+00 : f32
      %broadcast_in_dim3A_146 = vector.broadcast %broadcast_in_dim3A : f32 to vector<16xf32>
      %mul3A_147 = arith.constant 16 : i32
      %mul3A_148 = arith.muli %scan3A_144, %mul3A_147 : i32
      %swap3A = arith.index_cast %mul3A_148 : i32 to index
      %swap3A_149 = tpu.vector_load %arg14[%swap3A] {strides = array<i32>} : memref<10240xf32, #tpu.memory_space<vmem>>, vector<16xf32>,
      tpu.vector_store %arg14[%swap3A], %broadcast_in_dim3A_146 {strides = array<i32>} : memref<10240xf32, #tpu.memory_space<vmem>>, vector<16xf32>,
      %scan3A_150 = arith.constant 0 : i32
      scf.yield %scan3A_150 : i32
    }
    %scan3A_5 = arith.constant 640 : i32
    %scan3A_6 = arith.constant 0 : i32
    %scan3A_7 = arith.constant 0 : i32
    %scan3A_8 = arith.constant 80 : i32
    %scan3A_9 = arith.addi %scan3A_7, %scan3A_8 : i32
    %scan3A_10 = arith.constant 1 : i32
    %scan3A_11 = scf.for %scan3A_144 = %scan3A_7 to %scan3A_9 step %scan3A_10 iter_args(%scan3A_145 = %scan3A_6) -> (i32)  : i32 {
      %broadcast_in_dim3A = arith.constant 0.000000e+00 : f32
      %broadcast_in_dim3A_146 = vector.broadcast %broadcast_in_dim3A : f32 to vector<16xf32>
      %swap3A = arith.index_cast %scan3A_144 : i32 to index
      %swap3A_147 = arith.constant 0 : index
      %swap3A_148 = tpu.vector_load %arg11[%swap3A, %swap3A_147] {strides = array<i32>} : memref<80x128xf32, #tpu.memory_space<vmem>>, vector<16xf32>,
      tpu.vector_store %arg11[%swap3A, %swap3A_147], %broadcast_in_dim3A_146 {strides = array<i32>} : memref<80x128xf32, #tpu.memory_space<vmem>>, vector<16xf32>,
      %broadcast_in_dim3A_149 = arith.constant 0.000000e+00 : f32
      %broadcast_in_dim3A_150 = vector.broadcast %broadcast_in_dim3A_149 : f32 to vector<16xf32>
      %swap3A_151 = arith.index_cast %scan3A_144 : i32 to index
      %swap3A_152 = arith.constant 16 : index
      %swap3A_153 = tpu.vector_load %arg11[%swap3A_151, %swap3A_152] {strides = array<i32>} : memref<80x128xf32, #tpu.memory_space<vmem>>, vector<16xf32>,
      tpu.vector_store %arg11[%swap3A_151, %swap3A_152], %broadcast_in_dim3A_150 {strides = array<i32>} : memref<80x128xf32, #tpu.memory_space<vmem>>, vector<16xf32>,
      %broadcast_in_dim3A_154 = arith.constant 0.000000e+00 : f32
      %broadcast_in_dim3A_155 = vector.broadcast %broadcast_in_dim3A_154 : f32 to vector<16xf32>
      %swap3A_156 = arith.index_cast %scan3A_144 : i32 to index
      %swap3A_157 = arith.constant 32 : index
      %swap3A_158 = tpu.vector_load %arg11[%swap3A_156, %swap3A_157] {strides = array<i32>} : memref<80x128xf32, #tpu.memory_space<vmem>>, vector<16xf32>,
      tpu.vector_store %arg11[%swap3A_156, %swap3A_157], %broadcast_in_dim3A_155 {strides = array<i32>} : memref<80x128xf32, #tpu.memory_space<vmem>>, vector<16xf32>,
      %broadcast_in_dim3A_159 = arith.constant 0.000000e+00 : f32
      %broadcast_in_dim3A_160 = vector.broadcast %broadcast_in_dim3A_159 : f32 to vector<16xf32>
      %swap3A_161 = arith.index_cast %scan3A_144 : i32 to index
      %swap3A_162 = arith.constant 48 : index
      %swap3A_163 = tpu.vector_load %arg11[%swap3A_161, %swap3A_162] {strides = array<i32>} : memref<80x128xf32, #tpu.memory_space<vmem>>, vector<16xf32>,
      tpu.vector_store %arg11[%swap3A_161, %swap3A_162], %broadcast_in_dim3A_160 {strides = array<i32>} : memref<80x128xf32, #tpu.memory_space<vmem>>, vector<16xf32>,
      %broadcast_in_dim3A_164 = arith.constant 0.000000e+00 : f32
      %broadcast_in_dim3A_165 = vector.broadcast %broadcast_in_dim3A_164 : f32 to vector<16xf32>
      %swap3A_166 = arith.index_cast %scan3A_144 : i32 to index
      %swap3A_167 = arith.constant 64 : index
      %swap3A_168 = tpu.vector_load %arg11[%swap3A_166, %swap3A_167] {strides = array<i32>} : memref<80x128xf32, #tpu.memory_space<vmem>>, vector<16xf32>,
      tpu.vector_store %arg11[%swap3A_166, %swap3A_167], %broadcast_in_dim3A_165 {strides = array<i32>} : memref<80x128xf32, #tpu.memory_space<vmem>>, vector<16xf32>,
      %broadcast_in_dim3A_169 = arith.constant 0.000000e+00 : f32
      %broadcast_in_dim3A_170 = vector.broadcast %broadcast_in_dim3A_169 : f32 to vector<16xf32>
      %swap3A_171 = arith.index_cast %scan3A_144 : i32 to index
      %swap3A_172 = arith.constant 80 : index
      %swap3A_173 = tpu.vector_load %arg11[%swap3A_171, %swap3A_172] {strides = array<i32>} : memref<80x128xf32, #tpu.memory_space<vmem>>, vector<16xf32>,
      tpu.vector_store %arg11[%swap3A_171, %swap3A_172], %broadcast_in_dim3A_170 {strides = array<i32>} : memref<80x128xf32, #tpu.memory_space<vmem>>, vector<16xf32>,
      %broadcast_in_dim3A_174 = arith.constant 0.000000e+00 : f32
      %broadcast_in_dim3A_175 = vector.broadcast %broadcast_in_dim3A_174 : f32 to vector<16xf32>
      %swap3A_176 = arith.index_cast %scan3A_144 : i32 to index
      %swap3A_177 = arith.constant 96 : index
      %swap3A_178 = tpu.vector_load %arg11[%swap3A_176, %swap3A_177] {strides = array<i32>} : memref<80x128xf32, #tpu.memory_space<vmem>>, vector<16xf32>,
      tpu.vector_store %arg11[%swap3A_176, %swap3A_177], %broadcast_in_dim3A_175 {strides = array<i32>} : memref<80x128xf32, #tpu.memory_space<vmem>>, vector<16xf32>,
      %broadcast_in_dim3A_179 = arith.constant 0.000000e+00 : f32
      %broadcast_in_dim3A_180 = vector.broadcast %broadcast_in_dim3A_179 : f32 to vector<16xf32>
      %swap3A_181 = arith.index_cast %scan3A_144 : i32 to index
      %swap3A_182 = arith.constant 112 : index
      %swap3A_183 = tpu.vector_load %arg11[%swap3A_181, %swap3A_182] {strides = array<i32>} : memref<80x128xf32, #tpu.memory_space<vmem>>, vector<16xf32>,
      tpu.vector_store %arg11[%swap3A_181, %swap3A_182], %broadcast_in_dim3A_180 {strides = array<i32>} : memref<80x128xf32, #tpu.memory_space<vmem>>, vector<16xf32>,
      %scan3A_184 = arith.constant 0 : i32
      scf.yield %scan3A_184 : i32
    }
    %scan3A_12 = arith.constant 80 : i32
    %mul3A = arith.constant 640 : i32
    %mul3A_13 = arith.muli %arg1, %mul3A : i32
    %add3A = arith.constant 0 : i32
    %add3A_14 = arith.addi %mul3A_13, %add3A : i32
    "tpu.region"() ({
      %run_scoped3A_144 = tpu.sem_alloc : memref<!tpu.dma_semaphore, #tpu.memory_space<semaphore_mem>>
      %dma_start3A_145 = arith.constant 0 : i32
      %dma_start3A_146 = tpu.memref_slice %arg15[%add3A_14, %dma_start3A_145] : memref<10240x128xf32, #tpu.memory_space<vmem_shared>> -> memref<80x128xf32, #tpu.memory_space<vmem_shared>>
      %dma_start3A_147 = arith.constant 0 : i32
      %dma_start3A_148 = tpu.memref_slice %arg15[%add3A_14, %dma_start3A_147] : memref<10240x128xf32, #tpu.memory_space<vmem_shared>> -> memref<80x128xf32, #tpu.memory_space<vmem_shared>>
      tpu.enqueue_dma source(%arg11 : memref<80x128xf32, #tpu.memory_space<vmem>>) target(%dma_start3A_148 : memref<80x128xf32, #tpu.memory_space<vmem_shared>>) target_semaphore(%run_scoped3A_144 : memref<!tpu.dma_semaphore, #tpu.memory_space<semaphore_mem>>)
      %dma_wait3A_149 = arith.constant 0 : i32
      %dma_wait3A_150 = tpu.memref_slice %arg15[%add3A_14, %dma_wait3A_149] : memref<10240x128xf32, #tpu.memory_space<vmem_shared>> -> memref<80x128xf32, #tpu.memory_space<vmem_shared>>
      %dma_wait3A_151 = arith.constant 0 : i32
      %dma_wait3A_152 = tpu.memref_slice %arg15[%add3A_14, %dma_wait3A_151] : memref<10240x128xf32, #tpu.memory_space<vmem_shared>> -> memref<80x128xf32, #tpu.memory_space<vmem_shared>>
      tpu.wait_dma2 semaphore(%run_scoped3A_144 : memref<!tpu.dma_semaphore, #tpu.memory_space<semaphore_mem>>) src(%arg11 : memref<80x128xf32, #tpu.memory_space<vmem>>) dst(%dma_wait3A_152 : memref<80x128xf32, #tpu.memory_space<vmem_shared>>)
      tpu.yield
    }) : () -> ()
    %mul3A_15 = arith.constant 640 : i32
    %mul3A_16 = arith.muli %arg1, %mul3A_15 : i32
    %add3A_17 = arith.constant 80 : i32
    %add3A_18 = arith.addi %mul3A_16, %add3A_17 : i32
    "tpu.region"() ({
      %run_scoped3A_144 = tpu.sem_alloc : memref<!tpu.dma_semaphore, #tpu.memory_space<semaphore_mem>>
      %dma_start3A_145 = arith.constant 0 : i32
      %dma_start3A_146 = tpu.memref_slice %arg15[%add3A_18, %dma_start3A_145] : memref<10240x128xf32, #tpu.memory_space<vmem_shared>> -> memref<80x128xf32, #tpu.memory_space<vmem_shared>>
      %dma_start3A_147 = arith.constant 0 : i32
      %dma_start3A_148 = tpu.memref_slice %arg15[%add3A_18, %dma_start3A_147] : memref<10240x128xf32, #tpu.memory_space<vmem_shared>> -> memref<80x128xf32, #tpu.memory_space<vmem_shared>>
      tpu.enqueue_dma source(%arg11 : memref<80x128xf32, #tpu.memory_space<vmem>>) target(%dma_start3A_148 : memref<80x128xf32, #tpu.memory_space<vmem_shared>>) target_semaphore(%run_scoped3A_144 : memref<!tpu.dma_semaphore, #tpu.memory_space<semaphore_mem>>)
      %dma_wait3A_149 = arith.constant 0 : i32
      %dma_wait3A_150 = tpu.memref_slice %arg15[%add3A_18, %dma_wait3A_149] : memref<10240x128xf32, #tpu.memory_space<vmem_shared>> -> memref<80x128xf32, #tpu.memory_space<vmem_shared>>
      %dma_wait3A_151 = arith.constant 0 : i32
      %dma_wait3A_152 = tpu.memref_slice %arg15[%add3A_18, %dma_wait3A_151] : memref<10240x128xf32, #tpu.memory_space<vmem_shared>> -> memref<80x128xf32, #tpu.memory_space<vmem_shared>>
      tpu.wait_dma2 semaphore(%run_scoped3A_144 : memref<!tpu.dma_semaphore, #tpu.memory_space<semaphore_mem>>) src(%arg11 : memref<80x128xf32, #tpu.memory_space<vmem>>) dst(%dma_wait3A_152 : memref<80x128xf32, #tpu.memory_space<vmem_shared>>)
      tpu.yield
    }) : () -> ()
    %mul3A_19 = arith.constant 640 : i32
    %mul3A_20 = arith.muli %arg1, %mul3A_19 : i32
    %add3A_21 = arith.constant 160 : i32
    %add3A_22 = arith.addi %mul3A_20, %add3A_21 : i32
    "tpu.region"() ({
      %run_scoped3A_144 = tpu.sem_alloc : memref<!tpu.dma_semaphore, #tpu.memory_space<semaphore_mem>>
      %dma_start3A_145 = arith.constant 0 : i32
      %dma_start3A_146 = tpu.memref_slice %arg15[%add3A_22, %dma_start3A_145] : memref<10240x128xf32, #tpu.memory_space<vmem_shared>> -> memref<80x128xf32, #tpu.memory_space<vmem_shared>>
      %dma_start3A_147 = arith.constant 0 : i32
      %dma_start3A_148 = tpu.memref_slice %arg15[%add3A_22, %dma_start3A_147] : memref<10240x128xf32, #tpu.memory_space<vmem_shared>> -> memref<80x128xf32, #tpu.memory_space<vmem_shared>>
      tpu.enqueue_dma source(%arg11 : memref<80x128xf32, #tpu.memory_space<vmem>>) target(%dma_start3A_148 : memref<80x128xf32, #tpu.memory_space<vmem_shared>>) target_semaphore(%run_scoped3A_144 : memref<!tpu.dma_semaphore, #tpu.memory_space<semaphore_mem>>)
      %dma_wait3A_149 = arith.constant 0 : i32
      %dma_wait3A_150 = tpu.memref_slice %arg15[%add3A_22, %dma_wait3A_149] : memref<10240x128xf32, #tpu.memory_space<vmem_shared>> -> memref<80x128xf32, #tpu.memory_space<vmem_shared>>
      %dma_wait3A_151 = arith.constant 0 : i32
      %dma_wait3A_152 = tpu.memref_slice %arg15[%add3A_22, %dma_wait3A_151] : memref<10240x128xf32, #tpu.memory_space<vmem_shared>> -> memref<80x128xf32, #tpu.memory_space<vmem_shared>>
      tpu.wait_dma2 semaphore(%run_scoped3A_144 : memref<!tpu.dma_semaphore, #tpu.memory_space<semaphore_mem>>) src(%arg11 : memref<80x128xf32, #tpu.memory_space<vmem>>) dst(%dma_wait3A_152 : memref<80x128xf32, #tpu.memory_space<vmem_shared>>)
      tpu.yield
    }) : () -> ()
    %mul3A_23 = arith.constant 640 : i32
    %mul3A_24 = arith.muli %arg1, %mul3A_23 : i32
    %add3A_25 = arith.constant 240 : i32
    %add3A_26 = arith.addi %mul3A_24, %add3A_25 : i32
    "tpu.region"() ({
      %run_scoped3A_144 = tpu.sem_alloc : memref<!tpu.dma_semaphore, #tpu.memory_space<semaphore_mem>>
      %dma_start3A_145 = arith.constant 0 : i32
      %dma_start3A_146 = tpu.memref_slice %arg15[%add3A_26, %dma_start3A_145] : memref<10240x128xf32, #tpu.memory_space<vmem_shared>> -> memref<80x128xf32, #tpu.memory_space<vmem_shared>>
      %dma_start3A_147 = arith.constant 0 : i32
      %dma_start3A_148 = tpu.memref_slice %arg15[%add3A_26, %dma_start3A_147] : memref<10240x128xf32, #tpu.memory_space<vmem_shared>> -> memref<80x128xf32, #tpu.memory_space<vmem_shared>>
      tpu.enqueue_dma source(%arg11 : memref<80x128xf32, #tpu.memory_space<vmem>>) target(%dma_start3A_148 : memref<80x128xf32, #tpu.memory_space<vmem_shared>>) target_semaphore(%run_scoped3A_144 : memref<!tpu.dma_semaphore, #tpu.memory_space<semaphore_mem>>)
      %dma_wait3A_149 = arith.constant 0 : i32
      %dma_wait3A_150 = tpu.memref_slice %arg15[%add3A_26, %dma_wait3A_149] : memref<10240x128xf32, #tpu.memory_space<vmem_shared>> -> memref<80x128xf32, #tpu.memory_space<vmem_shared>>
      %dma_wait3A_151 = arith.constant 0 : i32
      %dma_wait3A_152 = tpu.memref_slice %arg15[%add3A_26, %dma_wait3A_151] : memref<10240x128xf32, #tpu.memory_space<vmem_shared>> -> memref<80x128xf32, #tpu.memory_space<vmem_shared>>
      tpu.wait_dma2 semaphore(%run_scoped3A_144 : memref<!tpu.dma_semaphore, #tpu.memory_space<semaphore_mem>>) src(%arg11 : memref<80x128xf32, #tpu.memory_space<vmem>>) dst(%dma_wait3A_152 : memref<80x128xf32, #tpu.memory_space<vmem_shared>>)
      tpu.yield
    }) : () -> ()
    %mul3A_27 = arith.constant 640 : i32
    %mul3A_28 = arith.muli %arg1, %mul3A_27 : i32
    %add3A_29 = arith.constant 320 : i32
    %add3A_30 = arith.addi %mul3A_28, %add3A_29 : i32
    "tpu.region"() ({
      %run_scoped3A_144 = tpu.sem_alloc : memref<!tpu.dma_semaphore, #tpu.memory_space<semaphore_mem>>
      %dma_start3A_145 = arith.constant 0 : i32
      %dma_start3A_146 = tpu.memref_slice %arg15[%add3A_30, %dma_start3A_145] : memref<10240x128xf32, #tpu.memory_space<vmem_shared>> -> memref<80x128xf32, #tpu.memory_space<vmem_shared>>
      %dma_start3A_147 = arith.constant 0 : i32
      %dma_start3A_148 = tpu.memref_slice %arg15[%add3A_30, %dma_start3A_147] : memref<10240x128xf32, #tpu.memory_space<vmem_shared>> -> memref<80x128xf32, #tpu.memory_space<vmem_shared>>
      tpu.enqueue_dma source(%arg11 : memref<80x128xf32, #tpu.memory_space<vmem>>) target(%dma_start3A_148 : memref<80x128xf32, #tpu.memory_space<vmem_shared>>) target_semaphore(%run_scoped3A_144 : memref<!tpu.dma_semaphore, #tpu.memory_space<semaphore_mem>>)
      %dma_wait3A_149 = arith.constant 0 : i32
      %dma_wait3A_150 = tpu.memref_slice %arg15[%add3A_30, %dma_wait3A_149] : memref<10240x128xf32, #tpu.memory_space<vmem_shared>> -> memref<80x128xf32, #tpu.memory_space<vmem_shared>>
      %dma_wait3A_151 = arith.constant 0 : i32
      %dma_wait3A_152 = tpu.memref_slice %arg15[%add3A_30, %dma_wait3A_151] : memref<10240x128xf32, #tpu.memory_space<vmem_shared>> -> memref<80x128xf32, #tpu.memory_space<vmem_shared>>
      tpu.wait_dma2 semaphore(%run_scoped3A_144 : memref<!tpu.dma_semaphore, #tpu.memory_space<semaphore_mem>>) src(%arg11 : memref<80x128xf32, #tpu.memory_space<vmem>>) dst(%dma_wait3A_152 : memref<80x128xf32, #tpu.memory_space<vmem_shared>>)
      tpu.yield
    }) : () -> ()
    %mul3A_31 = arith.constant 640 : i32
    %mul3A_32 = arith.muli %arg1, %mul3A_31 : i32
    %add3A_33 = arith.constant 400 : i32
    %add3A_34 = arith.addi %mul3A_32, %add3A_33 : i32
    "tpu.region"() ({
      %run_scoped3A_144 = tpu.sem_alloc : memref<!tpu.dma_semaphore, #tpu.memory_space<semaphore_mem>>
      %dma_start3A_145 = arith.constant 0 : i32
      %dma_start3A_146 = tpu.memref_slice %arg15[%add3A_34, %dma_start3A_145] : memref<10240x128xf32, #tpu.memory_space<vmem_shared>> -> memref<80x128xf32, #tpu.memory_space<vmem_shared>>
      %dma_start3A_147 = arith.constant 0 : i32
      %dma_start3A_148 = tpu.memref_slice %arg15[%add3A_34, %dma_start3A_147] : memref<10240x128xf32, #tpu.memory_space<vmem_shared>> -> memref<80x128xf32, #tpu.memory_space<vmem_shared>>
      tpu.enqueue_dma source(%arg11 : memref<80x128xf32, #tpu.memory_space<vmem>>) target(%dma_start3A_148 : memref<80x128xf32, #tpu.memory_space<vmem_shared>>) target_semaphore(%run_scoped3A_144 : memref<!tpu.dma_semaphore, #tpu.memory_space<semaphore_mem>>)
      %dma_wait3A_149 = arith.constant 0 : i32
      %dma_wait3A_150 = tpu.memref_slice %arg15[%add3A_34, %dma_wait3A_149] : memref<10240x128xf32, #tpu.memory_space<vmem_shared>> -> memref<80x128xf32, #tpu.memory_space<vmem_shared>>
      %dma_wait3A_151 = arith.constant 0 : i32
      %dma_wait3A_152 = tpu.memref_slice %arg15[%add3A_34, %dma_wait3A_151] : memref<10240x128xf32, #tpu.memory_space<vmem_shared>> -> memref<80x128xf32, #tpu.memory_space<vmem_shared>>
      tpu.wait_dma2 semaphore(%run_scoped3A_144 : memref<!tpu.dma_semaphore, #tpu.memory_space<semaphore_mem>>) src(%arg11 : memref<80x128xf32, #tpu.memory_space<vmem>>) dst(%dma_wait3A_152 : memref<80x128xf32, #tpu.memory_space<vmem_shared>>)
      tpu.yield
    }) : () -> ()
    %mul3A_35 = arith.constant 640 : i32
    %mul3A_36 = arith.muli %arg1, %mul3A_35 : i32
    %add3A_37 = arith.constant 480 : i32
    %add3A_38 = arith.addi %mul3A_36, %add3A_37 : i32
    "tpu.region"() ({
      %run_scoped3A_144 = tpu.sem_alloc : memref<!tpu.dma_semaphore, #tpu.memory_space<semaphore_mem>>
      %dma_start3A_145 = arith.constant 0 : i32
      %dma_start3A_146 = tpu.memref_slice %arg15[%add3A_38, %dma_start3A_145] : memref<10240x128xf32, #tpu.memory_space<vmem_shared>> -> memref<80x128xf32, #tpu.memory_space<vmem_shared>>
      %dma_start3A_147 = arith.constant 0 : i32
      %dma_start3A_148 = tpu.memref_slice %arg15[%add3A_38, %dma_start3A_147] : memref<10240x128xf32, #tpu.memory_space<vmem_shared>> -> memref<80x128xf32, #tpu.memory_space<vmem_shared>>
      tpu.enqueue_dma source(%arg11 : memref<80x128xf32, #tpu.memory_space<vmem>>) target(%dma_start3A_148 : memref<80x128xf32, #tpu.memory_space<vmem_shared>>) target_semaphore(%run_scoped3A_144 : memref<!tpu.dma_semaphore, #tpu.memory_space<semaphore_mem>>)
      %dma_wait3A_149 = arith.constant 0 : i32
      %dma_wait3A_150 = tpu.memref_slice %arg15[%add3A_38, %dma_wait3A_149] : memref<10240x128xf32, #tpu.memory_space<vmem_shared>> -> memref<80x128xf32, #tpu.memory_space<vmem_shared>>
      %dma_wait3A_151 = arith.constant 0 : i32
      %dma_wait3A_152 = tpu.memref_slice %arg15[%add3A_38, %dma_wait3A_151] : memref<10240x128xf32, #tpu.memory_space<vmem_shared>> -> memref<80x128xf32, #tpu.memory_space<vmem_shared>>
      tpu.wait_dma2 semaphore(%run_scoped3A_144 : memref<!tpu.dma_semaphore, #tpu.memory_space<semaphore_mem>>) src(%arg11 : memref<80x128xf32, #tpu.memory_space<vmem>>) dst(%dma_wait3A_152 : memref<80x128xf32, #tpu.memory_space<vmem_shared>>)
      tpu.yield
    }) : () -> ()
    %mul3A_39 = arith.constant 640 : i32
    %mul3A_40 = arith.muli %arg1, %mul3A_39 : i32
    %add3A_41 = arith.constant 560 : i32
    %add3A_42 = arith.addi %mul3A_40, %add3A_41 : i32
    "tpu.region"() ({
      %run_scoped3A_144 = tpu.sem_alloc : memref<!tpu.dma_semaphore, #tpu.memory_space<semaphore_mem>>
      %dma_start3A_145 = arith.constant 0 : i32
      %dma_start3A_146 = tpu.memref_slice %arg15[%add3A_42, %dma_start3A_145] : memref<10240x128xf32, #tpu.memory_space<vmem_shared>> -> memref<80x128xf32, #tpu.memory_space<vmem_shared>>
      %dma_start3A_147 = arith.constant 0 : i32
      %dma_start3A_148 = tpu.memref_slice %arg15[%add3A_42, %dma_start3A_147] : memref<10240x128xf32, #tpu.memory_space<vmem_shared>> -> memref<80x128xf32, #tpu.memory_space<vmem_shared>>
      tpu.enqueue_dma source(%arg11 : memref<80x128xf32, #tpu.memory_space<vmem>>) target(%dma_start3A_148 : memref<80x128xf32, #tpu.memory_space<vmem_shared>>) target_semaphore(%run_scoped3A_144 : memref<!tpu.dma_semaphore, #tpu.memory_space<semaphore_mem>>)
      %dma_wait3A_149 = arith.constant 0 : i32
      %dma_wait3A_150 = tpu.memref_slice %arg15[%add3A_42, %dma_wait3A_149] : memref<10240x128xf32, #tpu.memory_space<vmem_shared>> -> memref<80x128xf32, #tpu.memory_space<vmem_shared>>
      %dma_wait3A_151 = arith.constant 0 : i32
      %dma_wait3A_152 = tpu.memref_slice %arg15[%add3A_42, %dma_wait3A_151] : memref<10240x128xf32, #tpu.memory_space<vmem_shared>> -> memref<80x128xf32, #tpu.memory_space<vmem_shared>>
      tpu.wait_dma2 semaphore(%run_scoped3A_144 : memref<!tpu.dma_semaphore, #tpu.memory_space<semaphore_mem>>) src(%arg11 : memref<80x128xf32, #tpu.memory_space<vmem>>) dst(%dma_wait3A_152 : memref<80x128xf32, #tpu.memory_space<vmem_shared>>)
      tpu.yield
    }) : () -> ()
    %barrier3A = arith.constant 0 : index
    tpu.barrier barrier_id(%barrier3A)
    %mul3A_43 = arith.constant 16 : i32
    %mul3A_44 = arith.muli %arg0, %mul3A_43 : i32
    %add3A_45 = arith.addi %mul3A_44, %arg1 : i32
    %mul3A_46 = arith.constant 10000 : i32
    %mul3A_47 = arith.muli %add3A_45, %mul3A_46 : i32
    %add3A_48 = arith.constant 0 : i32
    %add3A_49 = arith.addi %mul3A_47, %add3A_48 : i32
    %dma_start3A = arith.constant 0 : i32
    %dma_start3A_50 = tpu.memref_slice %arg2[%dma_start3A, %add3A_49] : memref<2x320000xi32, #tpu.memory_space<hbm>> -> memref<2x80xi32, #tpu.memory_space<hbm>>
    %dma_start3A_51 = arith.constant 0 : i32
    %dma_start3A_52 = tpu.memref_slice %arg2[%dma_start3A_51, %add3A_49] : memref<2x320000xi32, #tpu.memory_space<hbm>> -> memref<2x80xi32, #tpu.memory_space<hbm>>
    tpu.enqueue_dma source(%dma_start3A_52 : memref<2x80xi32, #tpu.memory_space<hbm>>) target(%arg7 : memref<2x80xi32, #tpu.memory_space<vmem>>) target_semaphore(%arg16 : memref<!tpu.dma_semaphore, #tpu.memory_space<semaphore_mem>>)
    %add3A_53 = arith.constant 80 : i32
    %add3A_54 = arith.addi %mul3A_47, %add3A_53 : i32
    %dma_start3A_55 = arith.constant 0 : i32
    %dma_start3A_56 = tpu.memref_slice %arg2[%dma_start3A_55, %add3A_54] : memref<2x320000xi32, #tpu.memory_space<hbm>> -> memref<2x80xi32, #tpu.memory_space<hbm>>
    %dma_start3A_57 = arith.constant 0 : i32
    %dma_start3A_58 = tpu.memref_slice %arg2[%dma_start3A_57, %add3A_54] : memref<2x320000xi32, #tpu.memory_space<hbm>> -> memref<2x80xi32, #tpu.memory_space<hbm>>
    tpu.enqueue_dma source(%dma_start3A_58 : memref<2x80xi32, #tpu.memory_space<hbm>>) target(%arg8 : memref<2x80xi32, #tpu.memory_space<vmem>>) target_semaphore(%arg17 : memref<!tpu.dma_semaphore, #tpu.memory_space<semaphore_mem>>)
    %dma_wait3A = arith.constant 0 : i32
    %dma_wait3A_59 = arith.constant 0 : i32
    %dma_wait3A_60 = tpu.memref_slice %arg2[%dma_wait3A, %dma_wait3A_59] : memref<2x320000xi32, #tpu.memory_space<hbm>> -> memref<2x80xi32, #tpu.memory_space<hbm>>
    %dma_wait3A_61 = arith.constant 0 : i32
    %dma_wait3A_62 = arith.constant 0 : i32
    %dma_wait3A_63 = tpu.memref_slice %arg2[%dma_wait3A_61, %dma_wait3A_62] : memref<2x320000xi32, #tpu.memory_space<hbm>> -> memref<2x80xi32, #tpu.memory_space<hbm>>
    tpu.wait_dma2 semaphore(%arg16 : memref<!tpu.dma_semaphore, #tpu.memory_space<semaphore_mem>>) src(%dma_wait3A_63 : memref<2x80xi32, #tpu.memory_space<hbm>>) dst(%arg7 : memref<2x80xi32, #tpu.memory_space<vmem>>)
    %dma_start3A_64 = arith.constant 1 : i32
    %dma_start3A_65 = arith.constant 0 : i32
    %dma_start3A_66 = tpu.memref_slice %arg7[%dma_start3A_64, %dma_start3A_65] : memref<2x80xi32, #tpu.memory_space<vmem>> -> memref<1x80xi32, #tpu.memory_space<vmem>>
    %dma_start3A_67 = tpu.memref_squeeze %dma_start3A_66 : memref<1x80xi32, #tpu.memory_space<vmem>> -> memref<80xi32, #tpu.memory_space<vmem>>
    %dma_start3A_68 = arith.constant 0 : i32
    %dma_start3A_69 = arith.constant 0 : i32
    %dma_start3A_70 = tpu.memref_slice %arg3[%dma_start3A_68, %dma_start3A_69] : memref<10240x128xf32, #tpu.memory_space<hbm>> -> memref<10240x128xf32, #tpu.memory_space<hbm>>
    tpu.enqueue_indirect_dma source(%dma_start3A_70 : memref<10240x128xf32, #tpu.memory_space<hbm>>) target(%arg11 : memref<80x128xf32, #tpu.memory_space<vmem>>) offsets(%dma_start3A_67 : memref<80xi32, #tpu.memory_space<vmem>>) semaphore(%arg20 : memref<!tpu.dma_semaphore, #tpu.memory_space<semaphore_mem>>)
    %scan3A_71 = arith.constant 0 : i32
    %scan3A_72 = arith.constant 0 : i32
    %scan3A_73 = arith.constant 31 : i32
    %scan3A_74 = arith.addi %scan3A_72, %scan3A_73 : i32
    %scan3A_75 = arith.constant 1 : i32
    %scan3A_76 = scf.for %scan3A_144 = %scan3A_72 to %scan3A_74 step %scan3A_75 iter_args(%scan3A_145 = %scan3A_71) -> (i32)  : i32 {
      %mul3A_146 = arith.constant 4 : i32
      %mul3A_147 = arith.muli %scan3A_144, %mul3A_146 : i32
      %add3A_148 = arith.constant 0 : i32
      %add3A_149 = arith.addi %mul3A_147, %add3A_148 : i32
      %gt3A = arith.constant 0 : i32
      %gt3A_150 = arith.cmpi sgt, %scan3A_144, %gt3A : i32
      %convert_element_type3A = arith.extui %gt3A_150 : i1 to i32
      %cond3A = arith.constant 0 : i32
      %cond3A_151 = arith.cmpi ne, %convert_element_type3A, %cond3A : i32
      scf.if %cond3A_151 {
        %dma_wait3A_499 = arith.constant 0 : i32
        %dma_wait3A_500 = arith.constant 0 : i32
        %dma_wait3A_501 = tpu.memref_slice %arg10[%dma_wait3A_499, %dma_wait3A_500] : memref<2x80xi32, #tpu.memory_space<vmem>> -> memref<1x80xi32, #tpu.memory_space<vmem>>
        %dma_wait3A_502 = tpu.memref_squeeze %dma_wait3A_501 : memref<1x80xi32, #tpu.memory_space<vmem>> -> memref<80xi32, #tpu.memory_space<vmem>>
        %dma_wait3A_503 = arith.constant 0 : i32
        %dma_wait3A_504 = arith.constant 0 : i32
        %dma_wait3A_505 = tpu.memref_slice %arg15[%dma_wait3A_503, %dma_wait3A_504] : memref<10240x128xf32, #tpu.memory_space<vmem_shared>> -> memref<10240x128xf32, #tpu.memory_space<vmem_shared>>
        tpu.wait_indirect_dma semaphore(%arg23 : memref<!tpu.dma_semaphore, #tpu.memory_space<semaphore_mem>>) src(%arg12 : memref<80x128xf32, #tpu.memory_space<vmem>>) dst(%dma_wait3A_505 : memref<10240x128xf32, #tpu.memory_space<vmem_shared>>)
      } else {
      }
      %add3A_152 = arith.constant 2 : i32
      %add3A_153 = arith.addi %add3A_149, %add3A_152 : i32
      %mul3A_154 = arith.constant 80 : i32
      %mul3A_155 = arith.muli %add3A_153, %mul3A_154 : i32
      %add3A_156 = arith.addi %mul3A_47, %mul3A_155 : i32
      %dma_start3A_157 = arith.constant 0 : i32
      %dma_start3A_158 = tpu.memref_slice %arg2[%dma_start3A_157, %add3A_156] : memref<2x320000xi32, #tpu.memory_space<hbm>> -> memref<2x80xi32, #tpu.memory_space<hbm>>
      %dma_start3A_159 = arith.constant 0 : i32
      %dma_start3A_160 = tpu.memref_slice %arg2[%dma_start3A_159, %add3A_156] : memref<2x320000xi32, #tpu.memory_space<hbm>> -> memref<2x80xi32, #tpu.memory_space<hbm>>
      tpu.enqueue_dma source(%dma_start3A_160 : memref<2x80xi32, #tpu.memory_space<hbm>>) target(%arg9 : memref<2x80xi32, #tpu.memory_space<vmem>>) target_semaphore(%arg18 : memref<!tpu.dma_semaphore, #tpu.memory_space<semaphore_mem>>)
      %dma_wait3A_161 = arith.constant 0 : i32
      %dma_wait3A_162 = arith.constant 0 : i32
      %dma_wait3A_163 = tpu.memref_slice %arg2[%dma_wait3A_161, %dma_wait3A_162] : memref<2x320000xi32, #tpu.memory_space<hbm>> -> memref<2x80xi32, #tpu.memory_space<hbm>>
      %dma_wait3A_164 = arith.constant 0 : i32
      %dma_wait3A_165 = arith.constant 0 : i32
      %dma_wait3A_166 = tpu.memref_slice %arg2[%dma_wait3A_164, %dma_wait3A_165] : memref<2x320000xi32, #tpu.memory_space<hbm>> -> memref<2x80xi32, #tpu.memory_space<hbm>>
      tpu.wait_dma2 semaphore(%arg17 : memref<!tpu.dma_semaphore, #tpu.memory_space<semaphore_mem>>) src(%dma_wait3A_166 : memref<2x80xi32, #tpu.memory_space<hbm>>) dst(%arg8 : memref<2x80xi32, #tpu.memory_space<vmem>>)
      %dma_start3A_167 = arith.constant 1 : i32
      %dma_start3A_168 = arith.constant 0 : i32
      %dma_start3A_169 = tpu.memref_slice %arg8[%dma_start3A_167, %dma_start3A_168] : memref<2x80xi32, #tpu.memory_space<vmem>> -> memref<1x80xi32, #tpu.memory_space<vmem>>
      %dma_start3A_170 = tpu.memref_squeeze %dma_start3A_169 : memref<1x80xi32, #tpu.memory_space<vmem>> -> memref<80xi32, #tpu.memory_space<vmem>>
      %dma_start3A_171 = arith.constant 0 : i32
      %dma_start3A_172 = arith.constant 0 : i32
      %dma_start3A_173 = tpu.memref_slice %arg3[%dma_start3A_171, %dma_start3A_172] : memref<10240x128xf32, #tpu.memory_space<hbm>> -> memref<10240x128xf32, #tpu.memory_space<hbm>>
      tpu.enqueue_indirect_dma source(%dma_start3A_173 : memref<10240x128xf32, #tpu.memory_space<hbm>>) target(%arg12 : memref<80x128xf32, #tpu.memory_space<vmem>>) offsets(%dma_start3A_170 : memref<80xi32, #tpu.memory_space<vmem>>) semaphore(%arg21 : memref<!tpu.dma_semaphore, #tpu.memory_space<semaphore_mem>>)
      %get3A_174 = arith.constant 1 : i32
      %get3A_175 = arith.index_cast %get3A_174 : i32 to index
      %get3A_176 = arith.constant 0 : index
      %get3A_177 = tpu.vector_load %arg7[%get3A_175, %get3A_176] {strides = array<i32>} : memref<2x80xi32, #tpu.memory_space<vmem>>, vector<16xi32>,
      %get3A_178 = arith.constant 0 : i32
      %get3A_179 = arith.index_cast %get3A_178 : i32 to index
      %get3A_180 = arith.constant 0 : index
      %get3A_181 = tpu.vector_load %arg7[%get3A_179, %get3A_180] {strides = array<i32>} : memref<2x80xi32, #tpu.memory_space<vmem>>, vector<16xi32>,
      %gather3A_182 = tpu.vector_load_idx %arg13[%get3A_177] : memref<10240xf32, #tpu.memory_space<vmem>>[vector<16xi32>], vector<16xf32>,
      tpu.vector_store_idx %arg14[%get3A_181], %gather3A_182 {add = true} : memref<10240xf32, #tpu.memory_space<vmem>>[vector<16xi32>], vector<16xf32>,
      %get3A_183 = arith.constant 1 : i32
      %get3A_184 = arith.index_cast %get3A_183 : i32 to index
      %get3A_185 = arith.constant 16 : index
      %get3A_186 = tpu.vector_load %arg7[%get3A_184, %get3A_185] {strides = array<i32>} : memref<2x80xi32, #tpu.memory_space<vmem>>, vector<16xi32>,
      %get3A_187 = arith.constant 0 : i32
      %get3A_188 = arith.index_cast %get3A_187 : i32 to index
      %get3A_189 = arith.constant 16 : index
      %get3A_190 = tpu.vector_load %arg7[%get3A_188, %get3A_189] {strides = array<i32>} : memref<2x80xi32, #tpu.memory_space<vmem>>, vector<16xi32>,
      %gather3A_191 = tpu.vector_load_idx %arg13[%get3A_186] : memref<10240xf32, #tpu.memory_space<vmem>>[vector<16xi32>], vector<16xf32>,
      tpu.vector_store_idx %arg14[%get3A_190], %gather3A_191 {add = true} : memref<10240xf32, #tpu.memory_space<vmem>>[vector<16xi32>], vector<16xf32>,
      %get3A_192 = arith.constant 1 : i32
      %get3A_193 = arith.index_cast %get3A_192 : i32 to index
      %get3A_194 = arith.constant 32 : index
      %get3A_195 = tpu.vector_load %arg7[%get3A_193, %get3A_194] {strides = array<i32>} : memref<2x80xi32, #tpu.memory_space<vmem>>, vector<16xi32>,
      %get3A_196 = arith.constant 0 : i32
      %get3A_197 = arith.index_cast %get3A_196 : i32 to index
      %get3A_198 = arith.constant 32 : index
      %get3A_199 = tpu.vector_load %arg7[%get3A_197, %get3A_198] {strides = array<i32>} : memref<2x80xi32, #tpu.memory_space<vmem>>, vector<16xi32>,
      %gather3A_200 = tpu.vector_load_idx %arg13[%get3A_195] : memref<10240xf32, #tpu.memory_space<vmem>>[vector<16xi32>], vector<16xf32>,
      tpu.vector_store_idx %arg14[%get3A_199], %gather3A_200 {add = true} : memref<10240xf32, #tpu.memory_space<vmem>>[vector<16xi32>], vector<16xf32>,
      %get3A_201 = arith.constant 1 : i32
      %get3A_202 = arith.index_cast %get3A_201 : i32 to index
      %get3A_203 = arith.constant 48 : index
      %get3A_204 = tpu.vector_load %arg7[%get3A_202, %get3A_203] {strides = array<i32>} : memref<2x80xi32, #tpu.memory_space<vmem>>, vector<16xi32>,
      %get3A_205 = arith.constant 0 : i32
      %get3A_206 = arith.index_cast %get3A_205 : i32 to index
      %get3A_207 = arith.constant 48 : index
      %get3A_208 = tpu.vector_load %arg7[%get3A_206, %get3A_207] {strides = array<i32>} : memref<2x80xi32, #tpu.memory_space<vmem>>, vector<16xi32>,
      %gather3A_209 = tpu.vector_load_idx %arg13[%get3A_204] : memref<10240xf32, #tpu.memory_space<vmem>>[vector<16xi32>], vector<16xf32>,
      tpu.vector_store_idx %arg14[%get3A_208], %gather3A_209 {add = true} : memref<10240xf32, #tpu.memory_space<vmem>>[vector<16xi32>], vector<16xf32>,
      %get3A_210 = arith.constant 1 : i32
      %get3A_211 = arith.index_cast %get3A_210 : i32 to index
      %get3A_212 = arith.constant 64 : index
      %get3A_213 = tpu.vector_load %arg7[%get3A_211, %get3A_212] {strides = array<i32>} : memref<2x80xi32, #tpu.memory_space<vmem>>, vector<16xi32>,
      %get3A_214 = arith.constant 0 : i32
      %get3A_215 = arith.index_cast %get3A_214 : i32 to index
      %get3A_216 = arith.constant 64 : index
      %get3A_217 = tpu.vector_load %arg7[%get3A_215, %get3A_216] {strides = array<i32>} : memref<2x80xi32, #tpu.memory_space<vmem>>, vector<16xi32>,
      %gather3A_218 = tpu.vector_load_idx %arg13[%get3A_213] : memref<10240xf32, #tpu.memory_space<vmem>>[vector<16xi32>], vector<16xf32>,
      tpu.vector_store_idx %arg14[%get3A_217], %gather3A_218 {add = true} : memref<10240xf32, #tpu.memory_space<vmem>>[vector<16xi32>], vector<16xf32>,
      %dma_wait3A_219 = arith.constant 1 : i32
      %dma_wait3A_220 = arith.constant 0 : i32
      %dma_wait3A_221 = tpu.memref_slice %arg7[%dma_wait3A_219, %dma_wait3A_220] : memref<2x80xi32, #tpu.memory_space<vmem>> -> memref<1x80xi32, #tpu.memory_space<vmem>>
      %dma_wait3A_222 = tpu.memref_squeeze %dma_wait3A_221 : memref<1x80xi32, #tpu.memory_space<vmem>> -> memref<80xi32, #tpu.memory_space<vmem>>
      %dma_wait3A_223 = arith.constant 0 : i32
      %dma_wait3A_224 = arith.constant 0 : i32
      %dma_wait3A_225 = tpu.memref_slice %arg3[%dma_wait3A_223, %dma_wait3A_224] : memref<10240x128xf32, #tpu.memory_space<hbm>> -> memref<10240x128xf32, #tpu.memory_space<hbm>>
      tpu.wait_indirect_dma semaphore(%arg20 : memref<!tpu.dma_semaphore, #tpu.memory_space<semaphore_mem>>) src(%dma_wait3A_225 : memref<10240x128xf32, #tpu.memory_space<hbm>>) dst(%arg11 : memref<80x128xf32, #tpu.memory_space<vmem>>)
      %dma_start3A_226 = arith.constant 0 : i32
      %dma_start3A_227 = arith.constant 0 : i32
      %dma_start3A_228 = tpu.memref_slice %arg7[%dma_start3A_226, %dma_start3A_227] : memref<2x80xi32, #tpu.memory_space<vmem>> -> memref<1x80xi32, #tpu.memory_space<vmem>>
      %dma_start3A_229 = tpu.memref_squeeze %dma_start3A_228 : memref<1x80xi32, #tpu.memory_space<vmem>> -> memref<80xi32, #tpu.memory_space<vmem>>
      %dma_start3A_230 = arith.constant 0 : i32
      %dma_start3A_231 = arith.constant 0 : i32
      %dma_start3A_232 = tpu.memref_slice %arg15[%dma_start3A_230, %dma_start3A_231] : memref<10240x128xf32, #tpu.memory_space<vmem_shared>> -> memref<10240x128xf32, #tpu.memory_space<vmem_shared>>
      tpu.enqueue_indirect_dma source(%arg11 : memref<80x128xf32, #tpu.memory_space<vmem>>) target(%dma_start3A_232 : memref<10240x128xf32, #tpu.memory_space<vmem_shared>>) offsets(%dma_start3A_229 : memref<80xi32, #tpu.memory_space<vmem>>) semaphore(%arg22 : memref<!tpu.dma_semaphore, #tpu.memory_space<semaphore_mem>>) {add = true}
      %add3A_233 = arith.constant 1 : i32
      %add3A_234 = arith.addi %mul3A_147, %add3A_233 : i32
      %dma_wait3A_235 = arith.constant 0 : i32
      %dma_wait3A_236 = arith.constant 0 : i32
      %dma_wait3A_237 = tpu.memref_slice %arg7[%dma_wait3A_235, %dma_wait3A_236] : memref<2x80xi32, #tpu.memory_space<vmem>> -> memref<1x80xi32, #tpu.memory_space<vmem>>
      %dma_wait3A_238 = tpu.memref_squeeze %dma_wait3A_237 : memref<1x80xi32, #tpu.memory_space<vmem>> -> memref<80xi32, #tpu.memory_space<vmem>>
      %dma_wait3A_239 = arith.constant 0 : i32
      %dma_wait3A_240 = arith.constant 0 : i32
      %dma_wait3A_241 = tpu.memref_slice %arg15[%dma_wait3A_239, %dma_wait3A_240] : memref<10240x128xf32, #tpu.memory_space<vmem_shared>> -> memref<10240x128xf32, #tpu.memory_space<vmem_shared>>
      tpu.wait_indirect_dma semaphore(%arg22 : memref<!tpu.dma_semaphore, #tpu.memory_space<semaphore_mem>>) src(%arg11 : memref<80x128xf32, #tpu.memory_space<vmem>>) dst(%dma_wait3A_241 : memref<10240x128xf32, #tpu.memory_space<vmem_shared>>)
      %add3A_242 = arith.constant 2 : i32
      %add3A_243 = arith.addi %add3A_234, %add3A_242 : i32
      %mul3A_244 = arith.constant 80 : i32
      %mul3A_245 = arith.muli %add3A_243, %mul3A_244 : i32
      %add3A_246 = arith.addi %mul3A_47, %mul3A_245 : i32
      %dma_start3A_247 = arith.constant 0 : i32
      %dma_start3A_248 = tpu.memref_slice %arg2[%dma_start3A_247, %add3A_246] : memref<2x320000xi32, #tpu.memory_space<hbm>> -> memref<2x80xi32, #tpu.memory_space<hbm>>
      %dma_start3A_249 = arith.constant 0 : i32
      %dma_start3A_250 = tpu.memref_slice %arg2[%dma_start3A_249, %add3A_246] : memref<2x320000xi32, #tpu.memory_space<hbm>> -> memref<2x80xi32, #tpu.memory_space<hbm>>
      tpu.enqueue_dma source(%dma_start3A_250 : memref<2x80xi32, #tpu.memory_space<hbm>>) target(%arg10 : memref<2x80xi32, #tpu.memory_space<vmem>>) target_semaphore(%arg19 : memref<!tpu.dma_semaphore, #tpu.memory_space<semaphore_mem>>)
      %dma_wait3A_251 = arith.constant 0 : i32
      %dma_wait3A_252 = arith.constant 0 : i32
      %dma_wait3A_253 = tpu.memref_slice %arg2[%dma_wait3A_251, %dma_wait3A_252] : memref<2x320000xi32, #tpu.memory_space<hbm>> -> memref<2x80xi32, #tpu.memory_space<hbm>>
      %dma_wait3A_254 = arith.constant 0 : i32
      %dma_wait3A_255 = arith.constant 0 : i32
      %dma_wait3A_256 = tpu.memref_slice %arg2[%dma_wait3A_254, %dma_wait3A_255] : memref<2x320000xi32, #tpu.memory_space<hbm>> -> memref<2x80xi32, #tpu.memory_space<hbm>>
      tpu.wait_dma2 semaphore(%arg18 : memref<!tpu.dma_semaphore, #tpu.memory_space<semaphore_mem>>) src(%dma_wait3A_256 : memref<2x80xi32, #tpu.memory_space<hbm>>) dst(%arg9 : memref<2x80xi32, #tpu.memory_space<vmem>>)
      %dma_start3A_257 = arith.constant 1 : i32
      %dma_start3A_258 = arith.constant 0 : i32
      %dma_start3A_259 = tpu.memref_slice %arg9[%dma_start3A_257, %dma_start3A_258] : memref<2x80xi32, #tpu.memory_space<vmem>> -> memref<1x80xi32, #tpu.memory_space<vmem>>
      %dma_start3A_260 = tpu.memref_squeeze %dma_start3A_259 : memref<1x80xi32, #tpu.memory_space<vmem>> -> memref<80xi32, #tpu.memory_space<vmem>>
      %dma_start3A_261 = arith.constant 0 : i32
      %dma_start3A_262 = arith.constant 0 : i32
      %dma_start3A_263 = tpu.memref_slice %arg3[%dma_start3A_261, %dma_start3A_262] : memref<10240x128xf32, #tpu.memory_space<hbm>> -> memref<10240x128xf32, #tpu.memory_space<hbm>>
      tpu.enqueue_indirect_dma source(%dma_start3A_263 : memref<10240x128xf32, #tpu.memory_space<hbm>>) target(%arg11 : memref<80x128xf32, #tpu.memory_space<vmem>>) offsets(%dma_start3A_260 : memref<80xi32, #tpu.memory_space<vmem>>) semaphore(%arg20 : memref<!tpu.dma_semaphore, #tpu.memory_space<semaphore_mem>>)
      %get3A_264 = arith.constant 1 : i32
      %get3A_265 = arith.index_cast %get3A_264 : i32 to index
      %get3A_266 = arith.constant 0 : index
      %get3A_267 = tpu.vector_load %arg8[%get3A_265, %get3A_266] {strides = array<i32>} : memref<2x80xi32, #tpu.memory_space<vmem>>, vector<16xi32>,
      %get3A_268 = arith.constant 0 : i32
      %get3A_269 = arith.index_cast %get3A_268 : i32 to index
      %get3A_270 = arith.constant 0 : index
      %get3A_271 = tpu.vector_load %arg8[%get3A_269, %get3A_270] {strides = array<i32>} : memref<2x80xi32, #tpu.memory_space<vmem>>, vector<16xi32>,
      %gather3A_272 = tpu.vector_load_idx %arg13[%get3A_267] : memref<10240xf32, #tpu.memory_space<vmem>>[vector<16xi32>], vector<16xf32>,
      tpu.vector_store_idx %arg14[%get3A_271], %gather3A_272 {add = true} : memref<10240xf32, #tpu.memory_space<vmem>>[vector<16xi32>], vector<16xf32>,
      %get3A_273 = arith.constant 1 : i32
      %get3A_274 = arith.index_cast %get3A_273 : i32 to index
      %get3A_275 = arith.constant 16 : index
      %get3A_276 = tpu.vector_load %arg8[%get3A_274, %get3A_275] {strides = array<i32>} : memref<2x80xi32, #tpu.memory_space<vmem>>, vector<16xi32>,
      %get3A_277 = arith.constant 0 : i32
      %get3A_278 = arith.index_cast %get3A_277 : i32 to index
      %get3A_279 = arith.constant 16 : index
      %get3A_280 = tpu.vector_load %arg8[%get3A_278, %get3A_279] {strides = array<i32>} : memref<2x80xi32, #tpu.memory_space<vmem>>, vector<16xi32>,
      %gather3A_281 = tpu.vector_load_idx %arg13[%get3A_276] : memref<10240xf32, #tpu.memory_space<vmem>>[vector<16xi32>], vector<16xf32>,
      tpu.vector_store_idx %arg14[%get3A_280], %gather3A_281 {add = true} : memref<10240xf32, #tpu.memory_space<vmem>>[vector<16xi32>], vector<16xf32>,
      %get3A_282 = arith.constant 1 : i32
      %get3A_283 = arith.index_cast %get3A_282 : i32 to index
      %get3A_284 = arith.constant 32 : index
      %get3A_285 = tpu.vector_load %arg8[%get3A_283, %get3A_284] {strides = array<i32>} : memref<2x80xi32, #tpu.memory_space<vmem>>, vector<16xi32>,
      %get3A_286 = arith.constant 0 : i32
      %get3A_287 = arith.index_cast %get3A_286 : i32 to index
      %get3A_288 = arith.constant 32 : index
      %get3A_289 = tpu.vector_load %arg8[%get3A_287, %get3A_288] {strides = array<i32>} : memref<2x80xi32, #tpu.memory_space<vmem>>, vector<16xi32>,
      %gather3A_290 = tpu.vector_load_idx %arg13[%get3A_285] : memref<10240xf32, #tpu.memory_space<vmem>>[vector<16xi32>], vector<16xf32>,
      tpu.vector_store_idx %arg14[%get3A_289], %gather3A_290 {add = true} : memref<10240xf32, #tpu.memory_space<vmem>>[vector<16xi32>], vector<16xf32>,
      %get3A_291 = arith.constant 1 : i32
      %get3A_292 = arith.index_cast %get3A_291 : i32 to index
      %get3A_293 = arith.constant 48 : index
      %get3A_294 = tpu.vector_load %arg8[%get3A_292, %get3A_293] {strides = array<i32>} : memref<2x80xi32, #tpu.memory_space<vmem>>, vector<16xi32>,
      %get3A_295 = arith.constant 0 : i32
      %get3A_296 = arith.index_cast %get3A_295 : i32 to index
      %get3A_297 = arith.constant 48 : index
      %get3A_298 = tpu.vector_load %arg8[%get3A_296, %get3A_297] {strides = array<i32>} : memref<2x80xi32, #tpu.memory_space<vmem>>, vector<16xi32>,
      %gather3A_299 = tpu.vector_load_idx %arg13[%get3A_294] : memref<10240xf32, #tpu.memory_space<vmem>>[vector<16xi32>], vector<16xf32>,
      tpu.vector_store_idx %arg14[%get3A_298], %gather3A_299 {add = true} : memref<10240xf32, #tpu.memory_space<vmem>>[vector<16xi32>], vector<16xf32>,
      %get3A_300 = arith.constant 1 : i32
      %get3A_301 = arith.index_cast %get3A_300 : i32 to index
      %get3A_302 = arith.constant 64 : index
      %get3A_303 = tpu.vector_load %arg8[%get3A_301, %get3A_302] {strides = array<i32>} : memref<2x80xi32, #tpu.memory_space<vmem>>, vector<16xi32>,
      %get3A_304 = arith.constant 0 : i32
      %get3A_305 = arith.index_cast %get3A_304 : i32 to index
      %get3A_306 = arith.constant 64 : index
      %get3A_307 = tpu.vector_load %arg8[%get3A_305, %get3A_306] {strides = array<i32>} : memref<2x80xi32, #tpu.memory_space<vmem>>, vector<16xi32>,
      %gather3A_308 = tpu.vector_load_idx %arg13[%get3A_303] : memref<10240xf32, #tpu.memory_space<vmem>>[vector<16xi32>], vector<16xf32>,
      tpu.vector_store_idx %arg14[%get3A_307], %gather3A_308 {add = true} : memref<10240xf32, #tpu.memory_space<vmem>>[vector<16xi32>], vector<16xf32>,
      %dma_wait3A_309 = arith.constant 1 : i32
      %dma_wait3A_310 = arith.constant 0 : i32
      %dma_wait3A_311 = tpu.memref_slice %arg8[%dma_wait3A_309, %dma_wait3A_310] : memref<2x80xi32, #tpu.memory_space<vmem>> -> memref<1x80xi32, #tpu.memory_space<vmem>>
      %dma_wait3A_312 = tpu.memref_squeeze %dma_wait3A_311 : memref<1x80xi32, #tpu.memory_space<vmem>> -> memref<80xi32, #tpu.memory_space<vmem>>
      %dma_wait3A_313 = arith.constant 0 : i32
      %dma_wait3A_314 = arith.constant 0 : i32
      %dma_wait3A_315 = tpu.memref_slice %arg3[%dma_wait3A_313, %dma_wait3A_314] : memref<10240x128xf32, #tpu.memory_space<hbm>> -> memref<10240x128xf32, #tpu.memory_space<hbm>>
      tpu.wait_indirect_dma semaphore(%arg21 : memref<!tpu.dma_semaphore, #tpu.memory_space<semaphore_mem>>) src(%dma_wait3A_315 : memref<10240x128xf32, #tpu.memory_space<hbm>>) dst(%arg12 : memref<80x128xf32, #tpu.memory_space<vmem>>)
      %dma_start3A_316 = arith.constant 0 : i32
      %dma_start3A_317 = arith.constant 0 : i32
      %dma_start3A_318 = tpu.memref_slice %arg8[%dma_start3A_316, %dma_start3A_317] : memref<2x80xi32, #tpu.memory_space<vmem>> -> memref<1x80xi32, #tpu.memory_space<vmem>>
      %dma_start3A_319 = tpu.memref_squeeze %dma_start3A_318 : memref<1x80xi32, #tpu.memory_space<vmem>> -> memref<80xi32, #tpu.memory_space<vmem>>
      %dma_start3A_320 = arith.constant 0 : i32
      %dma_start3A_321 = arith.constant 0 : i32
      %dma_start3A_322 = tpu.memref_slice %arg15[%dma_start3A_320, %dma_start3A_321] : memref<10240x128xf32, #tpu.memory_space<vmem_shared>> -> memref<10240x128xf32, #tpu.memory_space<vmem_shared>>
      tpu.enqueue_indirect_dma source(%arg12 : memref<80x128xf32, #tpu.memory_space<vmem>>) target(%dma_start3A_322 : memref<10240x128xf32, #tpu.memory_space<vmem_shared>>) offsets(%dma_start3A_319 : memref<80xi32, #tpu.memory_space<vmem>>) semaphore(%arg23 : memref<!tpu.dma_semaphore, #tpu.memory_space<semaphore_mem>>) {add = true}
      %add3A_323 = arith.constant 2 : i32
      %add3A_324 = arith.addi %mul3A_147, %add3A_323 : i32
      %dma_wait3A_325 = arith.constant 0 : i32
      %dma_wait3A_326 = arith.constant 0 : i32
      %dma_wait3A_327 = tpu.memref_slice %arg8[%dma_wait3A_325, %dma_wait3A_326] : memref<2x80xi32, #tpu.memory_space<vmem>> -> memref<1x80xi32, #tpu.memory_space<vmem>>
      %dma_wait3A_328 = tpu.memref_squeeze %dma_wait3A_327 : memref<1x80xi32, #tpu.memory_space<vmem>> -> memref<80xi32, #tpu.memory_space<vmem>>
      %dma_wait3A_329 = arith.constant 0 : i32
      %dma_wait3A_330 = arith.constant 0 : i32
      %dma_wait3A_331 = tpu.memref_slice %arg15[%dma_wait3A_329, %dma_wait3A_330] : memref<10240x128xf32, #tpu.memory_space<vmem_shared>> -> memref<10240x128xf32, #tpu.memory_space<vmem_shared>>
      tpu.wait_indirect_dma semaphore(%arg23 : memref<!tpu.dma_semaphore, #tpu.memory_space<semaphore_mem>>) src(%arg12 : memref<80x128xf32, #tpu.memory_space<vmem>>) dst(%dma_wait3A_331 : memref<10240x128xf32, #tpu.memory_space<vmem_shared>>)
      %add3A_332 = arith.constant 2 : i32
      %add3A_333 = arith.addi %add3A_324, %add3A_332 : i32
      %mul3A_334 = arith.constant 80 : i32
      %mul3A_335 = arith.muli %add3A_333, %mul3A_334 : i32
      %add3A_336 = arith.addi %mul3A_47, %mul3A_335 : i32
      %dma_start3A_337 = arith.constant 0 : i32
      %dma_start3A_338 = tpu.memref_slice %arg2[%dma_start3A_337, %add3A_336] : memref<2x320000xi32, #tpu.memory_space<hbm>> -> memref<2x80xi32, #tpu.memory_space<hbm>>
      %dma_start3A_339 = arith.constant 0 : i32
      %dma_start3A_340 = tpu.memref_slice %arg2[%dma_start3A_339, %add3A_336] : memref<2x320000xi32, #tpu.memory_space<hbm>> -> memref<2x80xi32, #tpu.memory_space<hbm>>
      tpu.enqueue_dma source(%dma_start3A_340 : memref<2x80xi32, #tpu.memory_space<hbm>>) target(%arg7 : memref<2x80xi32, #tpu.memory_space<vmem>>) target_semaphore(%arg16 : memref<!tpu.dma_semaphore, #tpu.memory_space<semaphore_mem>>)
      %dma_wait3A_341 = arith.constant 0 : i32
      %dma_wait3A_342 = arith.constant 0 : i32
      %dma_wait3A_343 = tpu.memref_slice %arg2[%dma_wait3A_341, %dma_wait3A_342] : memref<2x320000xi32, #tpu.memory_space<hbm>> -> memref<2x80xi32, #tpu.memory_space<hbm>>
      %dma_wait3A_344 = arith.constant 0 : i32
      %dma_wait3A_345 = arith.constant 0 : i32
      %dma_wait3A_346 = tpu.memref_slice %arg2[%dma_wait3A_344, %dma_wait3A_345] : memref<2x320000xi32, #tpu.memory_space<hbm>> -> memref<2x80xi32, #tpu.memory_space<hbm>>
      tpu.wait_dma2 semaphore(%arg19 : memref<!tpu.dma_semaphore, #tpu.memory_space<semaphore_mem>>) src(%dma_wait3A_346 : memref<2x80xi32, #tpu.memory_space<hbm>>) dst(%arg10 : memref<2x80xi32, #tpu.memory_space<vmem>>)
      %dma_start3A_347 = arith.constant 1 : i32
      %dma_start3A_348 = arith.constant 0 : i32
      %dma_start3A_349 = tpu.memref_slice %arg10[%dma_start3A_347, %dma_start3A_348] : memref<2x80xi32, #tpu.memory_space<vmem>> -> memref<1x80xi32, #tpu.memory_space<vmem>>
      %dma_start3A_350 = tpu.memref_squeeze %dma_start3A_349 : memref<1x80xi32, #tpu.memory_space<vmem>> -> memref<80xi32, #tpu.memory_space<vmem>>
      %dma_start3A_351 = arith.constant 0 : i32
      %dma_start3A_352 = arith.constant 0 : i32
      %dma_start3A_353 = tpu.memref_slice %arg3[%dma_start3A_351, %dma_start3A_352] : memref<10240x128xf32, #tpu.memory_space<hbm>> -> memref<10240x128xf32, #tpu.memory_space<hbm>>
      tpu.enqueue_indirect_dma source(%dma_start3A_353 : memref<10240x128xf32, #tpu.memory_space<hbm>>) target(%arg12 : memref<80x128xf32, #tpu.memory_space<vmem>>) offsets(%dma_start3A_350 : memref<80xi32, #tpu.memory_space<vmem>>) semaphore(%arg21 : memref<!tpu.dma_semaphore, #tpu.memory_space<semaphore_mem>>)
      %get3A_354 = arith.constant 1 : i32
      %get3A_355 = arith.index_cast %get3A_354 : i32 to index
      %get3A_356 = arith.constant 0 : index
      %get3A_357 = tpu.vector_load %arg9[%get3A_355, %get3A_356] {strides = array<i32>} : memref<2x80xi32, #tpu.memory_space<vmem>>, vector<16xi32>,
      %get3A_358 = arith.constant 0 : i32
      %get3A_359 = arith.index_cast %get3A_358 : i32 to index
      %get3A_360 = arith.constant 0 : index
      %get3A_361 = tpu.vector_load %arg9[%get3A_359, %get3A_360] {strides = array<i32>} : memref<2x80xi32, #tpu.memory_space<vmem>>, vector<16xi32>,
      %gather3A_362 = tpu.vector_load_idx %arg13[%get3A_357] : memref<10240xf32, #tpu.memory_space<vmem>>[vector<16xi32>], vector<16xf32>,
      tpu.vector_store_idx %arg14[%get3A_361], %gather3A_362 {add = true} : memref<10240xf32, #tpu.memory_space<vmem>>[vector<16xi32>], vector<16xf32>,
      %get3A_363 = arith.constant 1 : i32
      %get3A_364 = arith.index_cast %get3A_363 : i32 to index
      %get3A_365 = arith.constant 16 : index
      %get3A_366 = tpu.vector_load %arg9[%get3A_364, %get3A_365] {strides = array<i32>} : memref<2x80xi32, #tpu.memory_space<vmem>>, vector<16xi32>,
      %get3A_367 = arith.constant 0 : i32
      %get3A_368 = arith.index_cast %get3A_367 : i32 to index
      %get3A_369 = arith.constant 16 : index
      %get3A_370 = tpu.vector_load %arg9[%get3A_368, %get3A_369] {strides = array<i32>} : memref<2x80xi32, #tpu.memory_space<vmem>>, vector<16xi32>,
      %gather3A_371 = tpu.vector_load_idx %arg13[%get3A_366] : memref<10240xf32, #tpu.memory_space<vmem>>[vector<16xi32>], vector<16xf32>,
      tpu.vector_store_idx %arg14[%get3A_370], %gather3A_371 {add = true} : memref<10240xf32, #tpu.memory_space<vmem>>[vector<16xi32>], vector<16xf32>,
      %get3A_372 = arith.constant 1 : i32
      %get3A_373 = arith.index_cast %get3A_372 : i32 to index
      %get3A_374 = arith.constant 32 : index
      %get3A_375 = tpu.vector_load %arg9[%get3A_373, %get3A_374] {strides = array<i32>} : memref<2x80xi32, #tpu.memory_space<vmem>>, vector<16xi32>,
      %get3A_376 = arith.constant 0 : i32
      %get3A_377 = arith.index_cast %get3A_376 : i32 to index
      %get3A_378 = arith.constant 32 : index
      %get3A_379 = tpu.vector_load %arg9[%get3A_377, %get3A_378] {strides = array<i32>} : memref<2x80xi32, #tpu.memory_space<vmem>>, vector<16xi32>,
      %gather3A_380 = tpu.vector_load_idx %arg13[%get3A_375] : memref<10240xf32, #tpu.memory_space<vmem>>[vector<16xi32>], vector<16xf32>,
      tpu.vector_store_idx %arg14[%get3A_379], %gather3A_380 {add = true} : memref<10240xf32, #tpu.memory_space<vmem>>[vector<16xi32>], vector<16xf32>,
      %get3A_381 = arith.constant 1 : i32
      %get3A_382 = arith.index_cast %get3A_381 : i32 to index
      %get3A_383 = arith.constant 48 : index
      %get3A_384 = tpu.vector_load %arg9[%get3A_382, %get3A_383] {strides = array<i32>} : memref<2x80xi32, #tpu.memory_space<vmem>>, vector<16xi32>,
      %get3A_385 = arith.constant 0 : i32
      %get3A_386 = arith.index_cast %get3A_385 : i32 to index
      %get3A_387 = arith.constant 48 : index
      %get3A_388 = tpu.vector_load %arg9[%get3A_386, %get3A_387] {strides = array<i32>} : memref<2x80xi32, #tpu.memory_space<vmem>>, vector<16xi32>,
      %gather3A_389 = tpu.vector_load_idx %arg13[%get3A_384] : memref<10240xf32, #tpu.memory_space<vmem>>[vector<16xi32>], vector<16xf32>,
      tpu.vector_store_idx %arg14[%get3A_388], %gather3A_389 {add = true} : memref<10240xf32, #tpu.memory_space<vmem>>[vector<16xi32>], vector<16xf32>,
      %get3A_390 = arith.constant 1 : i32
      %get3A_391 = arith.index_cast %get3A_390 : i32 to index
      %get3A_392 = arith.constant 64 : index
      %get3A_393 = tpu.vector_load %arg9[%get3A_391, %get3A_392] {strides = array<i32>} : memref<2x80xi32, #tpu.memory_space<vmem>>, vector<16xi32>,
      %get3A_394 = arith.constant 0 : i32
      %get3A_395 = arith.index_cast %get3A_394 : i32 to index
      %get3A_396 = arith.constant 64 : index
      %get3A_397 = tpu.vector_load %arg9[%get3A_395, %get3A_396] {strides = array<i32>} : memref<2x80xi32, #tpu.memory_space<vmem>>, vector<16xi32>,
      %gather3A_398 = tpu.vector_load_idx %arg13[%get3A_393] : memref<10240xf32, #tpu.memory_space<vmem>>[vector<16xi32>], vector<16xf32>,
      tpu.vector_store_idx %arg14[%get3A_397], %gather3A_398 {add = true} : memref<10240xf32, #tpu.memory_space<vmem>>[vector<16xi32>], vector<16xf32>,
      %dma_wait3A_399 = arith.constant 1 : i32
      %dma_wait3A_400 = arith.constant 0 : i32
      %dma_wait3A_401 = tpu.memref_slice %arg9[%dma_wait3A_399, %dma_wait3A_400] : memref<2x80xi32, #tpu.memory_space<vmem>> -> memref<1x80xi32, #tpu.memory_space<vmem>>
      %dma_wait3A_402 = tpu.memref_squeeze %dma_wait3A_401 : memref<1x80xi32, #tpu.memory_space<vmem>> -> memref<80xi32, #tpu.memory_space<vmem>>
      %dma_wait3A_403 = arith.constant 0 : i32
      %dma_wait3A_404 = arith.constant 0 : i32
      %dma_wait3A_405 = tpu.memref_slice %arg3[%dma_wait3A_403, %dma_wait3A_404] : memref<10240x128xf32, #tpu.memory_space<hbm>> -> memref<10240x128xf32, #tpu.memory_space<hbm>>
      tpu.wait_indirect_dma semaphore(%arg20 : memref<!tpu.dma_semaphore, #tpu.memory_space<semaphore_mem>>) src(%dma_wait3A_405 : memref<10240x128xf32, #tpu.memory_space<hbm>>) dst(%arg11 : memref<80x128xf32, #tpu.memory_space<vmem>>)
      %dma_start3A_406 = arith.constant 0 : i32
      %dma_start3A_407 = arith.constant 0 : i32
      %dma_start3A_408 = tpu.memref_slice %arg9[%dma_start3A_406, %dma_start3A_407] : memref<2x80xi32, #tpu.memory_space<vmem>> -> memref<1x80xi32, #tpu.memory_space<vmem>>
      %dma_start3A_409 = tpu.memref_squeeze %dma_start3A_408 : memref<1x80xi32, #tpu.memory_space<vmem>> -> memref<80xi32, #tpu.memory_space<vmem>>
      %dma_start3A_410 = arith.constant 0 : i32
      %dma_start3A_411 = arith.constant 0 : i32
      %dma_start3A_412 = tpu.memref_slice %arg15[%dma_start3A_410, %dma_start3A_411] : memref<10240x128xf32, #tpu.memory_space<vmem_shared>> -> memref<10240x128xf32, #tpu.memory_space<vmem_shared>>
      tpu.enqueue_indirect_dma source(%arg11 : memref<80x128xf32, #tpu.memory_space<vmem>>) target(%dma_start3A_412 : memref<10240x128xf32, #tpu.memory_space<vmem_shared>>) offsets(%dma_start3A_409 : memref<80xi32, #tpu.memory_space<vmem>>) semaphore(%arg22 : memref<!tpu.dma_semaphore, #tpu.memory_space<semaphore_mem>>) {add = true}
      %add3A_413 = arith.constant 3 : i32
      %add3A_414 = arith.addi %mul3A_147, %add3A_413 : i32
      %dma_wait3A_415 = arith.constant 0 : i32
      %dma_wait3A_416 = arith.constant 0 : i32
      %dma_wait3A_417 = tpu.memref_slice %arg9[%dma_wait3A_415, %dma_wait3A_416] : memref<2x80xi32, #tpu.memory_space<vmem>> -> memref<1x80xi32, #tpu.memory_space<vmem>>
      %dma_wait3A_418 = tpu.memref_squeeze %dma_wait3A_417 : memref<1x80xi32, #tpu.memory_space<vmem>> -> memref<80xi32, #tpu.memory_space<vmem>>
      %dma_wait3A_419 = arith.constant 0 : i32
      %dma_wait3A_420 = arith.constant 0 : i32
      %dma_wait3A_421 = tpu.memref_slice %arg15[%dma_wait3A_419, %dma_wait3A_420] : memref<10240x128xf32, #tpu.memory_space<vmem_shared>> -> memref<10240x128xf32, #tpu.memory_space<vmem_shared>>
      tpu.wait_indirect_dma semaphore(%arg22 : memref<!tpu.dma_semaphore, #tpu.memory_space<semaphore_mem>>) src(%arg11 : memref<80x128xf32, #tpu.memory_space<vmem>>) dst(%dma_wait3A_421 : memref<10240x128xf32, #tpu.memory_space<vmem_shared>>)
      %lt3A = arith.constant 30 : i32
      %lt3A_422 = arith.cmpi slt, %scan3A_144, %lt3A : i32
      %convert_element_type3A_423 = arith.extui %lt3A_422 : i1 to i32
      %cond3A_424 = arith.constant 0 : i32
      %cond3A_425 = arith.cmpi ne, %convert_element_type3A_423, %cond3A_424 : i32
      scf.if %cond3A_425 {
        %add3A_499 = arith.constant 2 : i32
        %add3A_500 = arith.addi %add3A_414, %add3A_499 : i32
        %mul3A_501 = arith.constant 80 : i32
        %mul3A_502 = arith.muli %add3A_500, %mul3A_501 : i32
        %add3A_503 = arith.addi %mul3A_47, %mul3A_502 : i32
        %dma_start3A_504 = arith.constant 0 : i32
        %dma_start3A_505 = tpu.memref_slice %arg2[%dma_start3A_504, %add3A_503] : memref<2x320000xi32, #tpu.memory_space<hbm>> -> memref<2x80xi32, #tpu.memory_space<hbm>>
        %dma_start3A_506 = arith.constant 0 : i32
        %dma_start3A_507 = tpu.memref_slice %arg2[%dma_start3A_506, %add3A_503] : memref<2x320000xi32, #tpu.memory_space<hbm>> -> memref<2x80xi32, #tpu.memory_space<hbm>>
        tpu.enqueue_dma source(%dma_start3A_507 : memref<2x80xi32, #tpu.memory_space<hbm>>) target(%arg8 : memref<2x80xi32, #tpu.memory_space<vmem>>) target_semaphore(%arg17 : memref<!tpu.dma_semaphore, #tpu.memory_space<semaphore_mem>>)
      } else {
      }
      %dma_wait3A_426 = arith.constant 0 : i32
      %dma_wait3A_427 = arith.constant 0 : i32
      %dma_wait3A_428 = tpu.memref_slice %arg2[%dma_wait3A_426, %dma_wait3A_427] : memref<2x320000xi32, #tpu.memory_space<hbm>> -> memref<2x80xi32, #tpu.memory_space<hbm>>
      %dma_wait3A_429 = arith.constant 0 : i32
      %dma_wait3A_430 = arith.constant 0 : i32
      %dma_wait3A_431 = tpu.memref_slice %arg2[%dma_wait3A_429, %dma_wait3A_430] : memref<2x320000xi32, #tpu.memory_space<hbm>> -> memref<2x80xi32, #tpu.memory_space<hbm>>
      tpu.wait_dma2 semaphore(%arg16 : memref<!tpu.dma_semaphore, #tpu.memory_space<semaphore_mem>>) src(%dma_wait3A_431 : memref<2x80xi32, #tpu.memory_space<hbm>>) dst(%arg7 : memref<2x80xi32, #tpu.memory_space<vmem>>)
      %dma_start3A_432 = arith.constant 1 : i32
      %dma_start3A_433 = arith.constant 0 : i32
      %dma_start3A_434 = tpu.memref_slice %arg7[%dma_start3A_432, %dma_start3A_433] : memref<2x80xi32, #tpu.memory_space<vmem>> -> memref<1x80xi32, #tpu.memory_space<vmem>>
      %dma_start3A_435 = tpu.memref_squeeze %dma_start3A_434 : memref<1x80xi32, #tpu.memory_space<vmem>> -> memref<80xi32, #tpu.memory_space<vmem>>
      %dma_start3A_436 = arith.constant 0 : i32
      %dma_start3A_437 = arith.constant 0 : i32
      %dma_start3A_438 = tpu.memref_slice %arg3[%dma_start3A_436, %dma_start3A_437] : memref<10240x128xf32, #tpu.memory_space<hbm>> -> memref<10240x128xf32, #tpu.memory_space<hbm>>
      tpu.enqueue_indirect_dma source(%dma_start3A_438 : memref<10240x128xf32, #tpu.memory_space<hbm>>) target(%arg11 : memref<80x128xf32, #tpu.memory_space<vmem>>) offsets(%dma_start3A_435 : memref<80xi32, #tpu.memory_space<vmem>>) semaphore(%arg20 : memref<!tpu.dma_semaphore, #tpu.memory_space<semaphore_mem>>)
      %get3A_439 = arith.constant 1 : i32
      %get3A_440 = arith.index_cast %get3A_439 : i32 to index
      %get3A_441 = arith.constant 0 : index
      %get3A_442 = tpu.vector_load %arg10[%get3A_440, %get3A_441] {strides = array<i32>} : memref<2x80xi32, #tpu.memory_space<vmem>>, vector<16xi32>,
      %get3A_443 = arith.constant 0 : i32
      %get3A_444 = arith.index_cast %get3A_443 : i32 to index
      %get3A_445 = arith.constant 0 : index
      %get3A_446 = tpu.vector_load %arg10[%get3A_444, %get3A_445] {strides = array<i32>} : memref<2x80xi32, #tpu.memory_space<vmem>>, vector<16xi32>,
      %gather3A_447 = tpu.vector_load_idx %arg13[%get3A_442] : memref<10240xf32, #tpu.memory_space<vmem>>[vector<16xi32>], vector<16xf32>,
      tpu.vector_store_idx %arg14[%get3A_446], %gather3A_447 {add = true} : memref<10240xf32, #tpu.memory_space<vmem>>[vector<16xi32>], vector<16xf32>,
      %get3A_448 = arith.constant 1 : i32
      %get3A_449 = arith.index_cast %get3A_448 : i32 to index
      %get3A_450 = arith.constant 16 : index
      %get3A_451 = tpu.vector_load %arg10[%get3A_449, %get3A_450] {strides = array<i32>} : memref<2x80xi32, #tpu.memory_space<vmem>>, vector<16xi32>,
      %get3A_452 = arith.constant 0 : i32
      %get3A_453 = arith.index_cast %get3A_452 : i32 to index
      %get3A_454 = arith.constant 16 : index
      %get3A_455 = tpu.vector_load %arg10[%get3A_453, %get3A_454] {strides = array<i32>} : memref<2x80xi32, #tpu.memory_space<vmem>>, vector<16xi32>,
      %gather3A_456 = tpu.vector_load_idx %arg13[%get3A_451] : memref<10240xf32, #tpu.memory_space<vmem>>[vector<16xi32>], vector<16xf32>,
      tpu.vector_store_idx %arg14[%get3A_455], %gather3A_456 {add = true} : memref<10240xf32, #tpu.memory_space<vmem>>[vector<16xi32>], vector<16xf32>,
      %get3A_457 = arith.constant 1 : i32
      %get3A_458 = arith.index_cast %get3A_457 : i32 to index
      %get3A_459 = arith.constant 32 : index
      %get3A_460 = tpu.vector_load %arg10[%get3A_458, %get3A_459] {strides = array<i32>} : memref<2x80xi32, #tpu.memory_space<vmem>>, vector<16xi32>,
      %get3A_461 = arith.constant 0 : i32
      %get3A_462 = arith.index_cast %get3A_461 : i32 to index
      %get3A_463 = arith.constant 32 : index
      %get3A_464 = tpu.vector_load %arg10[%get3A_462, %get3A_463] {strides = array<i32>} : memref<2x80xi32, #tpu.memory_space<vmem>>, vector<16xi32>,
      %gather3A_465 = tpu.vector_load_idx %arg13[%get3A_460] : memref<10240xf32, #tpu.memory_space<vmem>>[vector<16xi32>], vector<16xf32>,
      tpu.vector_store_idx %arg14[%get3A_464], %gather3A_465 {add = true} : memref<10240xf32, #tpu.memory_space<vmem>>[vector<16xi32>], vector<16xf32>,
      %get3A_466 = arith.constant 1 : i32
      %get3A_467 = arith.index_cast %get3A_466 : i32 to index
      %get3A_468 = arith.constant 48 : index
      %get3A_469 = tpu.vector_load %arg10[%get3A_467, %get3A_468] {strides = array<i32>} : memref<2x80xi32, #tpu.memory_space<vmem>>, vector<16xi32>,
      %get3A_470 = arith.constant 0 : i32
      %get3A_471 = arith.index_cast %get3A_470 : i32 to index
      %get3A_472 = arith.constant 48 : index
      %get3A_473 = tpu.vector_load %arg10[%get3A_471, %get3A_472] {strides = array<i32>} : memref<2x80xi32, #tpu.memory_space<vmem>>, vector<16xi32>,
      %gather3A_474 = tpu.vector_load_idx %arg13[%get3A_469] : memref<10240xf32, #tpu.memory_space<vmem>>[vector<16xi32>], vector<16xf32>,
      tpu.vector_store_idx %arg14[%get3A_473], %gather3A_474 {add = true} : memref<10240xf32, #tpu.memory_space<vmem>>[vector<16xi32>], vector<16xf32>,
      %get3A_475 = arith.constant 1 : i32
      %get3A_476 = arith.index_cast %get3A_475 : i32 to index
      %get3A_477 = arith.constant 64 : index
      %get3A_478 = tpu.vector_load %arg10[%get3A_476, %get3A_477] {strides = array<i32>} : memref<2x80xi32, #tpu.memory_space<vmem>>, vector<16xi32>,
      %get3A_479 = arith.constant 0 : i32
      %get3A_480 = arith.index_cast %get3A_479 : i32 to index
      %get3A_481 = arith.constant 64 : index
      %get3A_482 = tpu.vector_load %arg10[%get3A_480, %get3A_481] {strides = array<i32>} : memref<2x80xi32, #tpu.memory_space<vmem>>, vector<16xi32>,
      %gather3A_483 = tpu.vector_load_idx %arg13[%get3A_478] : memref<10240xf32, #tpu.memory_space<vmem>>[vector<16xi32>], vector<16xf32>,
      tpu.vector_store_idx %arg14[%get3A_482], %gather3A_483 {add = true} : memref<10240xf32, #tpu.memory_space<vmem>>[vector<16xi32>], vector<16xf32>,
      %dma_wait3A_484 = arith.constant 1 : i32
      %dma_wait3A_485 = arith.constant 0 : i32
      %dma_wait3A_486 = tpu.memref_slice %arg10[%dma_wait3A_484, %dma_wait3A_485] : memref<2x80xi32, #tpu.memory_space<vmem>> -> memref<1x80xi32, #tpu.memory_space<vmem>>
      %dma_wait3A_487 = tpu.memref_squeeze %dma_wait3A_486 : memref<1x80xi32, #tpu.memory_space<vmem>> -> memref<80xi32, #tpu.memory_space<vmem>>
      %dma_wait3A_488 = arith.constant 0 : i32
      %dma_wait3A_489 = arith.constant 0 : i32
      %dma_wait3A_490 = tpu.memref_slice %arg3[%dma_wait3A_488, %dma_wait3A_489] : memref<10240x128xf32, #tpu.memory_space<hbm>> -> memref<10240x128xf32, #tpu.memory_space<hbm>>
      tpu.wait_indirect_dma semaphore(%arg21 : memref<!tpu.dma_semaphore, #tpu.memory_space<semaphore_mem>>) src(%dma_wait3A_490 : memref<10240x128xf32, #tpu.memory_space<hbm>>) dst(%arg12 : memref<80x128xf32, #tpu.memory_space<vmem>>)
      %dma_start3A_491 = arith.constant 0 : i32
      %dma_start3A_492 = arith.constant 0 : i32
      %dma_start3A_493 = tpu.memref_slice %arg10[%dma_start3A_491, %dma_start3A_492] : memref<2x80xi32, #tpu.memory_space<vmem>> -> memref<1x80xi32, #tpu.memory_space<vmem>>
      %dma_start3A_494 = tpu.memref_squeeze %dma_start3A_493 : memref<1x80xi32, #tpu.memory_space<vmem>> -> memref<80xi32, #tpu.memory_space<vmem>>
      %dma_start3A_495 = arith.constant 0 : i32
      %dma_start3A_496 = arith.constant 0 : i32
      %dma_start3A_497 = tpu.memref_slice %arg15[%dma_start3A_495, %dma_start3A_496] : memref<10240x128xf32, #tpu.memory_space<vmem_shared>> -> memref<10240x128xf32, #tpu.memory_space<vmem_shared>>
      tpu.enqueue_indirect_dma source(%arg12 : memref<80x128xf32, #tpu.memory_space<vmem>>) target(%dma_start3A_497 : memref<10240x128xf32, #tpu.memory_space<vmem_shared>>) offsets(%dma_start3A_494 : memref<80xi32, #tpu.memory_space<vmem>>) semaphore(%arg23 : memref<!tpu.dma_semaphore, #tpu.memory_space<semaphore_mem>>) {add = true}
      %scan3A_498 = arith.constant 0 : i32
      scf.yield %scan3A_498 : i32
    }
    %scan3A_77 = arith.constant 31 : i32
    %dma_wait3A_78 = arith.constant 0 : i32
    %dma_wait3A_79 = arith.constant 0 : i32
    %dma_wait3A_80 = tpu.memref_slice %arg10[%dma_wait3A_78, %dma_wait3A_79] : memref<2x80xi32, #tpu.memory_space<vmem>> -> memref<1x80xi32, #tpu.memory_space<vmem>>
    %dma_wait3A_81 = tpu.memref_squeeze %dma_wait3A_80 : memref<1x80xi32, #tpu.memory_space<vmem>> -> memref<80xi32, #tpu.memory_space<vmem>>
    %dma_wait3A_82 = arith.constant 0 : i32
    %dma_wait3A_83 = arith.constant 0 : i32
    %dma_wait3A_84 = tpu.memref_slice %arg15[%dma_wait3A_82, %dma_wait3A_83] : memref<10240x128xf32, #tpu.memory_space<vmem_shared>> -> memref<10240x128xf32, #tpu.memory_space<vmem_shared>>
    tpu.wait_indirect_dma semaphore(%arg23 : memref<!tpu.dma_semaphore, #tpu.memory_space<semaphore_mem>>) src(%arg12 : memref<80x128xf32, #tpu.memory_space<vmem>>) dst(%dma_wait3A_84 : memref<10240x128xf32, #tpu.memory_space<vmem_shared>>)
    %get3A = arith.constant 1 : i32
    %get3A_85 = arith.index_cast %get3A : i32 to index
    %get3A_86 = arith.constant 0 : index
    %get3A_87 = tpu.vector_load %arg7[%get3A_85, %get3A_86] {strides = array<i32>} : memref<2x80xi32, #tpu.memory_space<vmem>>, vector<16xi32>,
    %get3A_88 = arith.constant 0 : i32
    %get3A_89 = arith.index_cast %get3A_88 : i32 to index
    %get3A_90 = arith.constant 0 : index
    %get3A_91 = tpu.vector_load %arg7[%get3A_89, %get3A_90] {strides = array<i32>} : memref<2x80xi32, #tpu.memory_space<vmem>>, vector<16xi32>,
    %gather3A = tpu.vector_load_idx %arg13[%get3A_87] : memref<10240xf32, #tpu.memory_space<vmem>>[vector<16xi32>], vector<16xf32>,
    tpu.vector_store_idx %arg14[%get3A_91], %gather3A {add = true} : memref<10240xf32, #tpu.memory_space<vmem>>[vector<16xi32>], vector<16xf32>,
    %get3A_92 = arith.constant 1 : i32
    %get3A_93 = arith.index_cast %get3A_92 : i32 to index
    %get3A_94 = arith.constant 16 : index
    %get3A_95 = tpu.vector_load %arg7[%get3A_93, %get3A_94] {strides = array<i32>} : memref<2x80xi32, #tpu.memory_space<vmem>>, vector<16xi32>,
    %get3A_96 = arith.constant 0 : i32
    %get3A_97 = arith.index_cast %get3A_96 : i32 to index
    %get3A_98 = arith.constant 16 : index
    %get3A_99 = tpu.vector_load %arg7[%get3A_97, %get3A_98] {strides = array<i32>} : memref<2x80xi32, #tpu.memory_space<vmem>>, vector<16xi32>,
    %gather3A_100 = tpu.vector_load_idx %arg13[%get3A_95] : memref<10240xf32, #tpu.memory_space<vmem>>[vector<16xi32>], vector<16xf32>,
    tpu.vector_store_idx %arg14[%get3A_99], %gather3A_100 {add = true} : memref<10240xf32, #tpu.memory_space<vmem>>[vector<16xi32>], vector<16xf32>,
    %get3A_101 = arith.constant 1 : i32
    %get3A_102 = arith.index_cast %get3A_101 : i32 to index
    %get3A_103 = arith.constant 32 : index
    %get3A_104 = tpu.vector_load %arg7[%get3A_102, %get3A_103] {strides = array<i32>} : memref<2x80xi32, #tpu.memory_space<vmem>>, vector<16xi32>,
    %get3A_105 = arith.constant 0 : i32
    %get3A_106 = arith.index_cast %get3A_105 : i32 to index
    %get3A_107 = arith.constant 32 : index
    %get3A_108 = tpu.vector_load %arg7[%get3A_106, %get3A_107] {strides = array<i32>} : memref<2x80xi32, #tpu.memory_space<vmem>>, vector<16xi32>,
    %gather3A_109 = tpu.vector_load_idx %arg13[%get3A_104] : memref<10240xf32, #tpu.memory_space<vmem>>[vector<16xi32>], vector<16xf32>,
    tpu.vector_store_idx %arg14[%get3A_108], %gather3A_109 {add = true} : memref<10240xf32, #tpu.memory_space<vmem>>[vector<16xi32>], vector<16xf32>,
    %get3A_110 = arith.constant 1 : i32
    %get3A_111 = arith.index_cast %get3A_110 : i32 to index
    %get3A_112 = arith.constant 48 : index
    %get3A_113 = tpu.vector_load %arg7[%get3A_111, %get3A_112] {strides = array<i32>} : memref<2x80xi32, #tpu.memory_space<vmem>>, vector<16xi32>,
    %get3A_114 = arith.constant 0 : i32
    %get3A_115 = arith.index_cast %get3A_114 : i32 to index
    %get3A_116 = arith.constant 48 : index
    %get3A_117 = tpu.vector_load %arg7[%get3A_115, %get3A_116] {strides = array<i32>} : memref<2x80xi32, #tpu.memory_space<vmem>>, vector<16xi32>,
    %gather3A_118 = tpu.vector_load_idx %arg13[%get3A_113] : memref<10240xf32, #tpu.memory_space<vmem>>[vector<16xi32>], vector<16xf32>,
    tpu.vector_store_idx %arg14[%get3A_117], %gather3A_118 {add = true} : memref<10240xf32, #tpu.memory_space<vmem>>[vector<16xi32>], vector<16xf32>,
    %get3A_119 = arith.constant 1 : i32
    %get3A_120 = arith.index_cast %get3A_119 : i32 to index
    %get3A_121 = arith.constant 64 : index
    %get3A_122 = tpu.vector_load %arg7[%get3A_120, %get3A_121] {strides = array<i32>} : memref<2x80xi32, #tpu.memory_space<vmem>>, vector<16xi32>,
    %get3A_123 = arith.constant 0 : i32
    %get3A_124 = arith.index_cast %get3A_123 : i32 to index
    %get3A_125 = arith.constant 64 : index
    %get3A_126 = tpu.vector_load %arg7[%get3A_124, %get3A_125] {strides = array<i32>} : memref<2x80xi32, #tpu.memory_space<vmem>>, vector<16xi32>,
    %gather3A_127 = tpu.vector_load_idx %arg13[%get3A_122] : memref<10240xf32, #tpu.memory_space<vmem>>[vector<16xi32>], vector<16xf32>,
    tpu.vector_store_idx %arg14[%get3A_126], %gather3A_127 {add = true} : memref<10240xf32, #tpu.memory_space<vmem>>[vector<16xi32>], vector<16xf32>,
    %dma_wait3A_128 = arith.constant 1 : i32
    %dma_wait3A_129 = arith.constant 0 : i32
    %dma_wait3A_130 = tpu.memref_slice %arg7[%dma_wait3A_128, %dma_wait3A_129] : memref<2x80xi32, #tpu.memory_space<vmem>> -> memref<1x80xi32, #tpu.memory_space<vmem>>
    %dma_wait3A_131 = tpu.memref_squeeze %dma_wait3A_130 : memref<1x80xi32, #tpu.memory_space<vmem>> -> memref<80xi32, #tpu.memory_space<vmem>>
    %dma_wait3A_132 = arith.constant 0 : i32
    %dma_wait3A_133 = arith.constant 0 : i32
    %dma_wait3A_134 = tpu.memref_slice %arg3[%dma_wait3A_132, %dma_wait3A_133] : memref<10240x128xf32, #tpu.memory_space<hbm>> -> memref<10240x128xf32, #tpu.memory_space<hbm>>
    tpu.wait_indirect_dma semaphore(%arg20 : memref<!tpu.dma_semaphore, #tpu.memory_space<semaphore_mem>>) src(%dma_wait3A_134 : memref<10240x128xf32, #tpu.memory_space<hbm>>) dst(%arg11 : memref<80x128xf32, #tpu.memory_space<vmem>>)
    %run_scoped3A_135 = arith.constant 0 : i32
    "tpu.region"() ({
      %run_scoped3A_144 = tpu.sem_alloc : memref<!tpu.dma_semaphore, #tpu.memory_space<semaphore_mem>>
      %dma_start3A_145 = arith.constant 0 : i32
      %dma_start3A_146 = tpu.memref_slice %arg7[%run_scoped3A_135, %dma_start3A_145] : memref<2x80xi32, #tpu.memory_space<vmem>> -> memref<1x80xi32, #tpu.memory_space<vmem>>
      %dma_start3A_147 = tpu.memref_squeeze %dma_start3A_146 : memref<1x80xi32, #tpu.memory_space<vmem>> -> memref<80xi32, #tpu.memory_space<vmem>>
      %dma_start3A_148 = arith.constant 0 : i32
      %dma_start3A_149 = arith.constant 0 : i32
      %dma_start3A_150 = tpu.memref_slice %arg15[%dma_start3A_148, %dma_start3A_149] : memref<10240x128xf32, #tpu.memory_space<vmem_shared>> -> memref<10240x128xf32, #tpu.memory_space<vmem_shared>>
      tpu.enqueue_indirect_dma source(%arg11 : memref<80x128xf32, #tpu.memory_space<vmem>>) target(%dma_start3A_150 : memref<10240x128xf32, #tpu.memory_space<vmem_shared>>) offsets(%dma_start3A_147 : memref<80xi32, #tpu.memory_space<vmem>>) semaphore(%run_scoped3A_144 : memref<!tpu.dma_semaphore, #tpu.memory_space<semaphore_mem>>) {add = true}
      %dma_wait3A_151 = arith.constant 0 : i32
      %dma_wait3A_152 = tpu.memref_slice %arg7[%run_scoped3A_135, %dma_wait3A_151] : memref<2x80xi32, #tpu.memory_space<vmem>> -> memref<1x80xi32, #tpu.memory_space<vmem>>
      %dma_wait3A_153 = tpu.memref_squeeze %dma_wait3A_152 : memref<1x80xi32, #tpu.memory_space<vmem>> -> memref<80xi32, #tpu.memory_space<vmem>>
      %dma_wait3A_154 = arith.constant 0 : i32
      %dma_wait3A_155 = arith.constant 0 : i32
      %dma_wait3A_156 = tpu.memref_slice %arg15[%dma_wait3A_154, %dma_wait3A_155] : memref<10240x128xf32, #tpu.memory_space<vmem_shared>> -> memref<10240x128xf32, #tpu.memory_space<vmem_shared>>
      tpu.wait_indirect_dma semaphore(%run_scoped3A_144 : memref<!tpu.dma_semaphore, #tpu.memory_space<semaphore_mem>>) src(%arg11 : memref<80x128xf32, #tpu.memory_space<vmem>>) dst(%dma_wait3A_156 : memref<10240x128xf32, #tpu.memory_space<vmem_shared>>)
      tpu.yield
    }) : () -> ()
    %barrier3A_136 = arith.constant 0 : index
    tpu.barrier barrier_id(%barrier3A_136)
    %mul3A_137 = arith.constant 640 : i32
    %mul3A_138 = arith.muli %arg1, %mul3A_137 : i32
    %mul3A_139 = arith.constant 640 : i32
    %mul3A_140 = arith.muli %arg1, %mul3A_139 : i32
    "tpu.region"() ({
      %run_scoped3A_144 = tpu.sem_alloc : memref<!tpu.dma_semaphore, #tpu.memory_space<semaphore_mem>>
      %dma_start3A_145 = arith.constant 0 : i32
      %dma_start3A_146 = tpu.memref_slice %arg5[%arg0, %mul3A_140, %dma_start3A_145] : memref<2x10240x128xf32, #tpu.memory_space<hbm>> -> memref<1x640x128xf32, #tpu.memory_space<hbm>>
      %dma_start3A_147 = tpu.memref_squeeze %dma_start3A_146 : memref<1x640x128xf32, #tpu.memory_space<hbm>> -> memref<640x128xf32, #tpu.memory_space<hbm>>
      %dma_start3A_148 = arith.constant 0 : i32
      %dma_start3A_149 = tpu.memref_slice %arg15[%mul3A_138, %dma_start3A_148] : memref<10240x128xf32, #tpu.memory_space<vmem_shared>> -> memref<640x128xf32, #tpu.memory_space<vmem_shared>>
      tpu.enqueue_dma source(%dma_start3A_149 : memref<640x128xf32, #tpu.memory_space<vmem_shared>>) target(%dma_start3A_147 : memref<640x128xf32, #tpu.memory_space<hbm>>) target_semaphore(%run_scoped3A_144 : memref<!tpu.dma_semaphore, #tpu.memory_space<semaphore_mem>>)
      %dma_wait3A_150 = arith.constant 0 : i32
      %dma_wait3A_151 = tpu.memref_slice %arg5[%arg0, %mul3A_140, %dma_wait3A_150] : memref<2x10240x128xf32, #tpu.memory_space<hbm>> -> memref<1x640x128xf32, #tpu.memory_space<hbm>>
      %dma_wait3A_152 = tpu.memref_squeeze %dma_wait3A_151 : memref<1x640x128xf32, #tpu.memory_space<hbm>> -> memref<640x128xf32, #tpu.memory_space<hbm>>
      %dma_wait3A_153 = arith.constant 0 : i32
      %dma_wait3A_154 = tpu.memref_slice %arg15[%mul3A_138, %dma_wait3A_153] : memref<10240x128xf32, #tpu.memory_space<vmem_shared>> -> memref<640x128xf32, #tpu.memory_space<vmem_shared>>
      tpu.wait_dma2 semaphore(%run_scoped3A_144 : memref<!tpu.dma_semaphore, #tpu.memory_space<semaphore_mem>>) src(%dma_wait3A_154 : memref<640x128xf32, #tpu.memory_space<vmem_shared>>) dst(%dma_wait3A_152 : memref<640x128xf32, #tpu.memory_space<hbm>>)
      tpu.yield
    }) : () -> ()
    %mul3A_141 = arith.constant 16 : i32
    %mul3A_142 = arith.muli %arg0, %mul3A_141 : i32
    %add3A_143 = arith.addi %mul3A_142, %arg1 : i32
    "tpu.region"() ({
      %run_scoped3A_144 = tpu.sem_alloc : memref<!tpu.dma_semaphore, #tpu.memory_space<semaphore_mem>>
      %dma_start3A_145 = arith.constant 0 : i32
      %dma_start3A_146 = tpu.memref_slice %arg6[%add3A_143, %dma_start3A_145] : memref<32x10240xf32, #tpu.memory_space<hbm>> -> memref<1x10240xf32, #tpu.memory_space<hbm>>
      %dma_start3A_147 = tpu.memref_squeeze %dma_start3A_146 : memref<1x10240xf32, #tpu.memory_space<hbm>> -> memref<10240xf32, #tpu.memory_space<hbm>>
      %dma_start3A_148 = arith.constant 0 : i32
      %dma_start3A_149 = tpu.memref_slice %arg6[%add3A_143, %dma_start3A_148] : memref<32x10240xf32, #tpu.memory_space<hbm>> -> memref<1x10240xf32, #tpu.memory_space<hbm>>
      %dma_start3A_150 = tpu.memref_squeeze %dma_start3A_149 : memref<1x10240xf32, #tpu.memory_space<hbm>> -> memref<10240xf32, #tpu.memory_space<hbm>>
      tpu.enqueue_dma source(%arg14 : memref<10240xf32, #tpu.memory_space<vmem>>) target(%dma_start3A_150 : memref<10240xf32, #tpu.memory_space<hbm>>) target_semaphore(%run_scoped3A_144 : memref<!tpu.dma_semaphore, #tpu.memory_space<semaphore_mem>>)
      %dma_wait3A_151 = arith.constant 0 : i32
      %dma_wait3A_152 = tpu.memref_slice %arg6[%add3A_143, %dma_wait3A_151] : memref<32x10240xf32, #tpu.memory_space<hbm>> -> memref<1x10240xf32, #tpu.memory_space<hbm>>
      %dma_wait3A_153 = tpu.memref_squeeze %dma_wait3A_152 : memref<1x10240xf32, #tpu.memory_space<hbm>> -> memref<10240xf32, #tpu.memory_space<hbm>>
      %dma_wait3A_154 = arith.constant 0 : i32
      %dma_wait3A_155 = tpu.memref_slice %arg6[%add3A_143, %dma_wait3A_154] : memref<32x10240xf32, #tpu.memory_space<hbm>> -> memref<1x10240xf32, #tpu.memory_space<hbm>>
      %dma_wait3A_156 = tpu.memref_squeeze %dma_wait3A_155 : memref<1x10240xf32, #tpu.memory_space<hbm>> -> memref<10240xf32, #tpu.memory_space<hbm>>
      tpu.wait_dma2 semaphore(%run_scoped3A_144 : memref<!tpu.dma_semaphore, #tpu.memory_space<semaphore_mem>>) src(%arg14 : memref<10240xf32, #tpu.memory_space<vmem>>) dst(%dma_wait3A_156 : memref<10240xf32, #tpu.memory_space<hbm>>)
      tpu.yield
    }) : () -> ()
    return
  }
}

module attributes {stable_mosaic.version = 14 : i64} {
  func.func @_prep_body(%arg0: i32, %arg1: memref<2048x128xf32, #tpu.memory_space<vmem>>, %arg2: memref<128x128xf32, #tpu.memory_space<vmem>>, %arg3: memref<1x128xf32, #tpu.memory_space<vmem>>, %arg4: memref<1x128xf32, #tpu.memory_space<vmem>>, %arg5: memref<1x1xf32, #tpu.memory_space<vmem>>, %arg6: memref<2048x128xf32, #tpu.memory_space<vmem>>, %arg7: memref<1x2048xf32, #tpu.memory_space<vmem>>) attributes {dimension_semantics = [#tpu.dimension_semantics<arbitrary>], iteration_bounds = array<i64: 5>, scalar_prefetch = 0 : i64, scratch_operands = 0 : i64, tpu.core_type = #tpu.core_type<tc>, window_params = [{transform_indices = @transform_0, window_bounds = array<i64: 2048, 128>}, {pipeline_mode = #tpu.pipeline_mode<synchronous>, transform_indices = @transform_1, window_bounds = array<i64: 128, 128>}, {pipeline_mode = #tpu.pipeline_mode<synchronous>, transform_indices = @transform_2, window_bounds = array<i64: 1, 128>}, {pipeline_mode = #tpu.pipeline_mode<synchronous>, transform_indices = @transform_3, window_bounds = array<i64: 1, 128>}, {pipeline_mode = #tpu.pipeline_mode<synchronous>, transform_indices = @transform_4, window_bounds = array<i64: 1, 1>}, {transform_indices = @transform_5, window_bounds = array<i64: 2048, 128>}, {transform_indices = @transform_6, window_bounds = array<i64: 1, 2048>}]} {
    %get3A = arith.constant 0 : index
    %get3A_0 = arith.constant 0 : index
    %get3A_1 = vector.load %arg1[%get3A, %get3A_0] : memref<2048x128xf32, #tpu.memory_space<vmem>>, vector<2048x128xf32>
    %get3A_2 = arith.constant 0 : index
    %get3A_3 = arith.constant 0 : index
    %get3A_4 = vector.load %arg2[%get3A_2, %get3A_3] : memref<128x128xf32, #tpu.memory_space<vmem>>, vector<128x128xf32>
    %dot_general3A = arith.constant dense<0.000000e+00> : vector<2048x128xf32>
    %dot_general3A_5 = tpu.matmul %get3A_1, %get3A_4, %dot_general3A {dimension_numbers = #tpu.dot_dimension_numbers<[1], [1], [0], [0], [0, 0, 1, 0], [], []>, transpose_lhs_hint = false} : vector<2048x128xf32>, vector<128x128xf32>, vector<2048x128xf32> -> vector<2048x128xf32>
    %get3A_6 = arith.constant 0 : index
    %get3A_7 = arith.constant 0 : index
    %get3A_8 = vector.load %arg3[%get3A_6, %get3A_7] : memref<1x128xf32, #tpu.memory_space<vmem>>, vector<1x128xf32>
    %add3A = vector.broadcast %get3A_8 : vector<1x128xf32> to vector<2048x128xf32>
    %add3A_9 = arith.addf %dot_general3A_5, %add3A : vector<2048x128xf32>
    %get3A_10 = arith.constant 0 : index
    %get3A_11 = arith.constant 0 : index
    %get3A_12 = vector.load %arg4[%get3A_10, %get3A_11] : memref<1x128xf32, #tpu.memory_space<vmem>>, vector<1x128xf32>
    %mul3A = vector.broadcast %get3A_12 : vector<1x128xf32> to vector<2048x128xf32>
    %mul3A_13 = arith.mulf %add3A_9, %mul3A : vector<2048x128xf32>
    %reduce_sum3A = arith.constant dense<0.000000e+00> : vector<2048xf32>
    %reduce_sum3A_14 = vector.multi_reduction <add>, %mul3A_13, %reduce_sum3A [1] : vector<2048x128xf32> to vector<2048xf32>
    %broadcast_in_dim3A = vector.shape_cast %reduce_sum3A_14 : vector<2048xf32> to vector<2048x1xf32>
    %get3A_15 = arith.constant 0 : index
    %get3A_16 = arith.constant 0 : index
    %get3A_17 = vector.load %arg5[%get3A_15, %get3A_16] : memref<1x1xf32, #tpu.memory_space<vmem>>, vector<1x1xf32>
    %get3A_18 = vector.extract %get3A_17[0, 0] : f32 from vector<1x1xf32>
    %add3A_19 = vector.broadcast %get3A_18 : f32 to vector<2048x1xf32>
    %add3A_20 = arith.addf %broadcast_in_dim3A, %add3A_19 : vector<2048x1xf32>
    %exp3A = math.exp %add3A_20 : vector<2048x1xf32>
    %mul3A_21 = vector.broadcast %exp3A : vector<2048x1xf32> to vector<2048x128xf32>
    %mul3A_22 = arith.mulf %add3A_9, %mul3A_21 : vector<2048x128xf32>
    %swap3A = arith.constant 0 : index
    %swap3A_23 = arith.constant 0 : index
    %swap3A_24 = vector.load %arg6[%swap3A, %swap3A_23] : memref<2048x128xf32, #tpu.memory_space<vmem>>, vector<2048x128xf32>
    tpu.vector_store %arg6[%swap3A, %swap3A_23], %mul3A_22 {strides = array<i32>} : memref<2048x128xf32, #tpu.memory_space<vmem>>, vector<2048x128xf32>,
    %transpose3A = tpu.transpose %exp3A, [1, 0] : vector<2048x1xf32> -> vector<1x2048xf32>
    %swap3A_25 = arith.constant 0 : index
    %swap3A_26 = arith.constant 0 : index
    %swap3A_27 = vector.load %arg7[%swap3A_25, %swap3A_26] : memref<1x2048xf32, #tpu.memory_space<vmem>>, vector<1x2048xf32>
    tpu.vector_store %arg7[%swap3A_25, %swap3A_26], %transpose3A {strides = array<i32>} : memref<1x2048xf32, #tpu.memory_space<vmem>>, vector<1x2048xf32>,
    return
  }
  func.func @transform_0(%arg0: i32) -> (i32, i32) {
    %c0_i32 = arith.constant 0 : i32
    %c0_i32_0 = arith.constant 0 : i32
    return %arg0, %c0_i32 : i32, i32
  }
  func.func @transform_1(%arg0: i32) -> (i32, i32) {
    %c0_i32 = arith.constant 0 : i32
    %c0_i32_0 = arith.constant 0 : i32
    %c0_i32_1 = arith.constant 0 : i32
    return %c0_i32, %c0_i32_0 : i32, i32
  }
  func.func @transform_2(%arg0: i32) -> (i32, i32) {
    %c0_i32 = arith.constant 0 : i32
    %c0_i32_0 = arith.constant 0 : i32
    %c0_i32_1 = arith.constant 0 : i32
    return %c0_i32, %c0_i32_0 : i32, i32
  }
  func.func @transform_3(%arg0: i32) -> (i32, i32) {
    %c0_i32 = arith.constant 0 : i32
    %c0_i32_0 = arith.constant 0 : i32
    %c0_i32_1 = arith.constant 0 : i32
    return %c0_i32, %c0_i32_0 : i32, i32
  }
  func.func @transform_4(%arg0: i32) -> (i32, i32) {
    %c0_i32 = arith.constant 0 : i32
    %c0_i32_0 = arith.constant 0 : i32
    %c0_i32_1 = arith.constant 0 : i32
    return %c0_i32, %c0_i32_0 : i32, i32
  }
  func.func @transform_5(%arg0: i32) -> (i32, i32) {
    %c0_i32 = arith.constant 0 : i32
    %c0_i32_0 = arith.constant 0 : i32
    return %arg0, %c0_i32 : i32, i32
  }
  func.func @transform_6(%arg0: i32) -> (i32, i32) {
    %c0_i32 = arith.constant 0 : i32
    %c0_i32_0 = arith.constant 0 : i32
    return %c0_i32, %arg0 : i32, i32
  }
}

module attributes {stable_mosaic.version = 14 : i64} {
  func.func @_comb_body(%arg0: i32, %arg1: memref<2x2048x128xf32, #tpu.memory_space<vmem>>, %arg2: memref<32x2048xf32, #tpu.memory_space<vmem>>, %arg3: memref<2048x128xf32, #tpu.memory_space<vmem>>) attributes {dimension_semantics = [#tpu.dimension_semantics<arbitrary>], iteration_bounds = array<i64: 5>, scalar_prefetch = 0 : i64, scratch_operands = 0 : i64, tpu.core_type = #tpu.core_type<tc>, window_params = [{transform_indices = @transform_0, window_bounds = array<i64: 2, 2048, 128>}, {transform_indices = @transform_1, window_bounds = array<i64: 32, 2048>}, {transform_indices = @transform_2, window_bounds = array<i64: 2048, 128>}]} {
    %get3A = arith.constant 0 : index
    %get3A_0 = arith.constant 0 : index
    %get3A_1 = arith.constant 0 : index
    %get3A_2 = vector.load %arg1[%get3A, %get3A_0, %get3A_1] : memref<2x2048x128xf32, #tpu.memory_space<vmem>>, vector<1x2048x128xf32>
    %get3A_3 = vector.shape_cast %get3A_2 : vector<1x2048x128xf32> to vector<2048x128xf32>
    %get3A_4 = arith.constant 1 : index
    %get3A_5 = arith.constant 0 : index
    %get3A_6 = arith.constant 0 : index
    %get3A_7 = vector.load %arg1[%get3A_4, %get3A_5, %get3A_6] : memref<2x2048x128xf32, #tpu.memory_space<vmem>>, vector<1x2048x128xf32>
    %get3A_8 = vector.shape_cast %get3A_7 : vector<1x2048x128xf32> to vector<2048x128xf32>
    %add3A = arith.addf %get3A_3, %get3A_8 : vector<2048x128xf32>
    %get3A_9 = arith.constant 0 : index
    %get3A_10 = arith.constant 0 : index
    %get3A_11 = vector.load %arg2[%get3A_9, %get3A_10] : memref<32x2048xf32, #tpu.memory_space<vmem>>, vector<32x2048xf32>
    %reduce_sum3A = arith.constant dense<0.000000e+00> : vector<2048xf32>
    %reduce_sum3A_12 = vector.multi_reduction <add>, %get3A_11, %reduce_sum3A [0] : vector<32x2048xf32> to vector<2048xf32>
    %broadcast_in_dim3A = vector.shape_cast %reduce_sum3A_12 : vector<2048xf32> to vector<1x2048xf32>
    %gt3A = arith.constant 0.000000e+00 : f32
    %gt3A_13 = vector.broadcast %gt3A : f32 to vector<1x2048xf32>
    %gt3A_14 = arith.cmpf ogt, %broadcast_in_dim3A, %gt3A_13 : vector<1x2048xf32>
    %jit3A = arith.constant 1.000000e+00 : f32
    %broadcast_in_dim3A_15 = vector.broadcast %jit3A : f32 to vector<1x2048xf32>
    %select_n3A = arith.select %gt3A_14, %broadcast_in_dim3A, %broadcast_in_dim3A_15 : vector<1x2048xi1>, vector<1x2048xf32>
    %transpose3A = tpu.transpose %select_n3A, [1, 0] : vector<1x2048xf32> -> vector<2048x1xf32>
    %div3A = vector.broadcast %transpose3A : vector<2048x1xf32> to vector<2048x128xf32>
    %div3A_16 = arith.divf %add3A, %div3A : vector<2048x128xf32>
    %swap3A = arith.constant 0 : index
    %swap3A_17 = arith.constant 0 : index
    %swap3A_18 = vector.load %arg3[%swap3A, %swap3A_17] : memref<2048x128xf32, #tpu.memory_space<vmem>>, vector<2048x128xf32>
    tpu.vector_store %arg3[%swap3A, %swap3A_17], %div3A_16 {strides = array<i32>} : memref<2048x128xf32, #tpu.memory_space<vmem>>, vector<2048x128xf32>,
    return
  }
  func.func @transform_0(%arg0: i32) -> (i32, i32, i32) {
    %c0_i32 = arith.constant 0 : i32
    %c0_i32_0 = arith.constant 0 : i32
    %c0_i32_1 = arith.constant 0 : i32
    return %c0_i32, %arg0, %c0_i32_0 : i32, i32, i32
  }
  func.func @transform_1(%arg0: i32) -> (i32, i32) {
    %c0_i32 = arith.constant 0 : i32
    %c0_i32_0 = arith.constant 0 : i32
    return %c0_i32, %arg0 : i32, i32
  }
  func.func @transform_2(%arg0: i32) -> (i32, i32) {
    %c0_i32 = arith.constant 0 : i32
    %c0_i32_0 = arith.constant 0 : i32
    return %arg0, %c0_i32 : i32, i32
  }
}

</mosaic_0001>

<sc_bundles>
// kernel: kernel.5.cloned.1.call-start
scs
__scs_entry_jumppad:
0x0: {  	(pc) =	sbr.rel $0x88, $3  }
0x1: {  	(tag) =	ssettag $0x0;
	lr =	simm.s32 $0x1  }
0x2: {  	[smem:$0x3F9B] =	sst lr;
	_ =	strace $0xD0000000  }
0x3: {  	_ = 	snop  }
0x4: {  	_ = 	snop  }
0x5: {  	_ = 	snop  }
0x6: {  	_ = 	snop  }
0x7: {  	_ = 	snop  }
__scs_overlays_trampoline_lowered:
0x8: {  	[smem:$0x3FAA] =	sst s0  }
0x9: {  	[smem:$0x3FAB] =	sst s1  }
0xa: {  	[smem:$0x3FAC] =	sst s2  }
0xb: {  	[smem:$0x3FAD] =	sst s3  }
0xc: {  	[smem:$0x3FAE] =	sst s4  }
0xd: {  	[smem:$0x3FAF] =	sst s5  }
0xe: {  	[smem:$0x3FB0] =	sst s6  }
0xf: {  	[smem:$0x3FB1] =	sst s7  }
0x10: {  	[smem:$0x3FB2] =	sst s8  }
0x11: {  	[smem:$0x3FB3] =	sst s9;
	s0 =	simm.s32 @!p0 $0x0  }
0x12: {  	s1 =	sld [smem:$0x3F99];
	s0 =	simm.s32 @p0 $0x1  }
0x13: {  	[smem:$0x3FB4] =	sst s0;
	s0 =	simm.s32 @!p1 $0x0  }
0x14: {  	s2 =	sld [smem:$0x3F98];
	s0 =	simm.s32 @p1 $0x1  }
0x15: {  	[smem:$0x3FB5] =	sst s0;
	s0 =	simm.s32 @!p2 $0x0  }
0x16: {  	s3 =	sld [smem:$0x3FDB];
	s0 =	simm.s32 @p2 $0x1  }
0x17: {  	s4 =	simm.s32 $0x1BF5;
	[smem:$0x3FB7] =	sst s0  }
0x18: {  	s0 =	sld [smem:$0x3F9A];
	_ =	swait.ge [sflag:s4], $0x0  }
0x19: {  	s7 =	sld [smem:$0x3F9B]  }
0x1a: {  	s8 =	sadd.s32 $0xFFFFE003, lr  }
0x1b: {  	s9 =	sadd.s32 $0xFFFFFEF7, lr;
	s5 =	simm.s32 $0xFFFFFFFF;
	p2 =	slt.u32 s8, $0xFFFFF086  }
0x1c: {  	p1 =	slt.u32 s9, $0xF7A;
	s5 =	simm.s32 @!p2 $0x0  }
0x1d: {  	s5 =	simm.s32 @p1 $0x1;
	p0 =	seq.s32 s7, s2  }
0x1e: {  	s7 =	smul.u32 @!p0 $0xF7A, s2;
	p2 =	seq.s32 @!p0 s5, $0x0  }
0x1f: {  	s9 =	smul.u32 $0xF7A, s1;
	s8 =	simm.s32 @!p0 $0x1BF5;
	p2 =	por !p2, p0  }
0x20: {  	[sflag:s8] =	ssyncset.s32 @!p0 $0xFFFFF086;
	s6 =	sadd.s32 @!p0 s3, s7;
	s7 =	simm.s32 @!p0 $0x108  }
0x21: {  	s3 =	sadd.s32 s3, s9;
	s6 =	sadd.s32 @!p0 $0x88, s6;
	s7 =	simm.s32 @p2 $0x1082  }
0x22: {  	[simem:s7], [sflag:s8] =	dma.local @!p0 [hbm:s6], $0xF7A  }
0x23: {  	s9 =	sor.u32 $0xD0000000, s2;
	s6 =	simm.s32 $0x108;
	_ =	swait.ge @!p0 [sflag:s8], $0x0  }
0x24: {  	s3 =	sadd.s32 $0x88, s3;
	s6 =	simm.s32 @!p1 $0x1082;
	[sflag:s4] =	ssyncset.s32 $0xFFFFF086  }
0x25: {  	[simem:s6], [sflag:s4] =	dma.local [hbm:s3], $0xF7A  }
0x26: {  	[smem:$0x3F9B] =	sst s1;
	(tag) =	ssettag s2;
	_ =	strace s9  }
0x27: {  	s1 =	sld [smem:$0x3FAB]  }
0x28: {  	s2 =	sld [smem:$0x3FAC]  }
0x29: {  	s4 =	sld [smem:$0x3FAE]  }
0x2a: {  	p0 =	seq.s32 s5, $0x0;
	s5 =	sld [smem:$0x3FAF]  }
0x2b: {  	s6 =	sld [smem:$0x3FB0]  }
0x2c: {  	s7 =	sld [smem:$0x3FB1]  }
0x2d: {  	s3 =	simm.s32 $0x108;
	s8 =	sld [smem:$0x3FB2]  }
0x2e: {  	s3 =	simm.s32 @!p0 $0x1082;
	s9 =	sld [smem:$0x3FB3]  }
0x2f: {  	lr =	sadd.s32 s0, s3;
	s0 =	sld [smem:$0x3FAA]  }
0x30: {  	s3 =	sld [smem:$0x3FAD]  }
0x31: {  	[smem:$0x3FB6] =	sst s10  }
0x32: {  	s10 =	sld [smem:$0x3FB4];
	_ =	sdelay $0x3  }
0x33: {  	p0 =	seq.s32 s10, $0x1;
	s10 =	sld [smem:$0x3FB6];
	_ =	sdelay $0x3  }
0x34: {  	[smem:$0x3FB6] =	sst s10  }
0x35: {  	s10 =	sld [smem:$0x3FB5];
	_ =	sdelay $0x3  }
0x36: {  	p1 =	seq.s32 s10, $0x1;
	s10 =	sld [smem:$0x3FB6];
	_ =	sdelay $0x3  }
0x37: {  	[smem:$0x3FB6] =	sst s10  }
0x38: {  	s10 =	sld [smem:$0x3FB7]  }
0x39: {  	_ = 	snop;
	(pc) =	sbr.ind lr, $3  }
0x3a: {  	_ = 	snop  }
0x3b: {  	_ = 	snop  }
0x3c: {  	p2 =	seq.s32 s10, $0x1;
	s10 =	sld [smem:$0x3FB6]  }
0x3d: {  	_ =	shalt  }
0x3e: {  	_ =	shalt  }
0x3f: {  	_ =	shalt  }
0x40: {  	_ =	shalt  }
0x41: {  	_ =	shalt  }
0x42: {  	_ =	shalt  }
0x43: {  	_ =	shalt  }
0x44: {  	_ =	shalt  }
0x45: {  	_ =	shalt  }
0x46: {  	_ =	shalt  }
0x47: {  	_ =	shalt  }
0x48: {  	_ =	shalt  }
0x49: {  	_ =	shalt  }
0x4a: {  	_ =	shalt  }
0x4b: {  	_ =	shalt  }
0x4c: {  	_ =	shalt  }
0x4d: {  	_ =	shalt  }
0x4e: {  	_ =	shalt  }
0x4f: {  	_ =	shalt  }
0x50: {  	_ =	shalt  }
0x51: {  	_ =	shalt  }
0x52: {  	_ =	shalt  }
0x53: {  	_ =	shalt  }
0x54: {  	_ =	shalt  }
0x55: {  	_ =	shalt  }
0x56: {  	_ =	shalt  }
0x57: {  	_ =	shalt  }
0x58: {  	_ =	shalt  }
0x59: {  	_ =	shalt  }
0x5a: {  	_ =	shalt  }
0x5b: {  	_ =	shalt  }
0x5c: {  	_ =	shalt  }
0x5d: {  	_ =	shalt  }
0x5e: {  	_ =	shalt  }
0x5f: {  	_ =	shalt  }
0x60: {  	_ =	shalt  }
0x61: {  	_ =	shalt  }
0x62: {  	_ =	shalt  }
0x63: {  	_ =	shalt  }
0x64: {  	_ =	shalt  }
0x65: {  	_ =	shalt  }
0x66: {  	_ =	shalt  }
0x67: {  	_ =	shalt  }
0x68: {  	_ =	shalt  }
0x69: {  	_ =	shalt  }
0x6a: {  	_ =	shalt  }
0x6b: {  	_ =	shalt  }
0x6c: {  	_ =	shalt  }
0x6d: {  	_ =	shalt  }
0x6e: {  	_ =	shalt  }
0x6f: {  	_ =	shalt  }
0x70: {  	_ =	shalt  }
0x71: {  	_ =	shalt  }
0x72: {  	_ =	shalt  }
0x73: {  	_ =	shalt  }
0x74: {  	_ =	shalt  }
0x75: {  	_ =	shalt  }
0x76: {  	_ =	shalt  }
0x77: {  	_ =	shalt  }
0x78: {  	_ =	shalt  }
0x79: {  	_ =	shalt  }
0x7a: {  	_ =	shalt  }
0x7b: {  	_ =	shalt  }
0x7c: {  	_ =	shalt  }
0x7d: {  	_ =	shalt  }
0x7e: {  	_ =	shalt  }
0x7f: {  	_ =	shalt  }
0x80: {  	_ =	shalt  }
0x81: {  	_ =	shalt  }
0x82: {  	_ =	shalt  }
0x83: {  	_ =	shalt  }
0x84: {  	_ =	shalt  }
0x85: {  	_ =	shalt  }
0x86: {  	_ =	shalt  }
0x87: {  	_ =	shalt  }
.Lfunc_end0:
.L_simem_size_0:
called_computation_lowered:
.L_overlay_start_0:
0x88: {  	s2 =	sld [smem:$0x3FD9]  }
0x89: {  	s3 =	sld [smem:$0x3FFE];
	_ =	sdelay $0x1  }
0x8a: {  	s1 =	srdreg.scid  }
0x8b: {  	s0 =	sand.u32 $0x1, s1  }
0x8c: {  	s17 =	sshll.u32 s0, $0xA;
	s2 =	sadd.s32 s3, s2  }
0x8d: {  	s2 =	sadd.s32 s2, s17  }
0x8e: {  	[smem:$0x3FC2] =	sst s2  }
0x8f: {  	_ = 	snop  }
0x90: {  	s2 =	sld [smem:$0x3FD0];
	(tm) =	ssettm $0x1  }
0x91: {  	s18 =	sld [smem:$0x3FFB];
	_ =	sdelay $0x3  }
0x92: {  	_ =	strace s18  }
0x93: {  	s3 =	sld [smem:$0x3FFC];
	_ =	sdelay $0x3  }
0x94: {  	_ =	strace s3  }
0x95: {  	s3 =	sld [smem:$0x3FFD];
	_ =	sdelay $0x3  }
0x96: {  	_ =	strace s3  }
0x97: {  	_ =	strace $0x8FFFFFFF  }
0x98: {  	s19 =	sld [smem:$0x3FDB];
	_ =	sdelay $0x1  }
0x99: {  	s4 =	simm.s32 $_scs_section_size  }
0x9a: {  	s5 =	simm.s32 $_size__tile_overlayer_lowered;
	s6 =	simm.s32 $_tile_overlayer_lowered  }
0x9b: {  	s22 =	simm.s32 $0x1BFF;
	s21 =	sshll.u32 s6, $0x1;
	s3 =	sadd.s32 s4, s19  }
0x9c: {  	s7 =	simm.s32 $0x0;
	s20 =	sshll.u32 s5, $0x1;
	s5 =	sadd.s32 s21, s3  }
0x9d: {  	[timem:s7], [sflag:s22] =	dma.local [hbm:s5], s20  }
0x9e: {  	_ =	swait.ge [sflag:s22], s20  }
0x9f: {  	s4 =	ssub.s32 $0x0, s20;
	[sflag:s22] =	ssyncset.done $0x0  }
0xa0: {  	[sflag:s22] =	ssyncadd.s32 s4;
	_ =	sdelay $0x1  }
0xa1: {  	s23 =	simm.s32 $0x1B8B  }
0xa2: {  	_ =	swait.ge [sflag:s23], $0x1  }
0xa3: {  	[sflag:s23] =	ssyncset.done $0x0  }
0xa4: {  	s25 =	simm.s32 $0x1B8E;
	s24 =	sld [smem:$0x3FFE];
	[sflag:s23] =	ssyncadd.s32 $0xFFFFFFFF  }
0xa5: {  	s26 =	simm.s32 $execute0_lowered;
	[smem:$0x3FD2] =	sst s25  }
0xa6: {  	s5 =	sshll.u32 s26, $0x1;
	_ =	strace $0x80000046;
	[dreg:$0x1] =	wrdreg $0xFFFFFFFF  }
0xa7: {  	s28 =	simm.s32 $_size_execute0_lowered;
	s3 =	sadd.s32 s3, s5;
	[dreg:$0x0] =	wrdreg $0x0  }
0xa8: {  	s5 =	sshll.u32 s28, $0x1;
	[dreg:$0x2] =	wrdreg s3  }
0xa9: {  	[dreg:$0x3] =	wrdreg s5  }
0xaa: {  	[dreg:$0x4] =	wrdreg $0xC0  }
0xab: {  	_ =	task [dreg:s7], $0x5FFFF  }
0xac: {  	[dreg:$0x1] =	wrdreg $0xFFFFFFFF  }
0xad: {  	[dreg:$0x0] =	wrdreg $0x60  }
0xae: {  	[dreg:$0x2] =	wrdreg s2  }
0xaf: {  	[dreg:$0x3] =	wrdreg s24  }
0xb0: {  	[dreg:$0x4] =	wrdreg $0xA2800  }
0xb1: {  	[dreg:$0x5] =	wrdreg $0x9  }
0xb2: {  	_ =	task.clear_ibuf [dreg:s7], $0x6FFFF;
	_ =	strace $0x90000046  }
0xb3: {  	s29 =	simm.s32 $0x9;
	_ =	strace $0x80000048  }
0xb4: {  	_ =	swait.ge [sflag:s29], $0x1  }
0xb5: {  	[sflag:s29] =	ssyncadd.s32 $0xFFFFFFFF  }
0xb6: {  	_ =	strace $0x90000048  }
0xb7: {  	_ =	sfence  }
0xb8: {  	s30 =	sld [smem:$0x0];
	_ =	sdelay $0x2  }
0xb9: {  	s31 =	sshll.u32 s1, $0xD;
	s1 =	sshrl.u32 s1, $0x2  }
0xba: {  	s3 =	sand.u32 $0x4000, s31;
	s1 =	sadd.s32 s1, s30  }
0xbb: {  	s0 =	sor.u32 s3, s0;
	s1 =	sshll.u32 s1, $0x11  }
0xbc: {  	s0 =	sor.u32 s1, s0  }
0xbd: {  	s0 =	sadd.s32 $0x8F2B, s0  }
0xbe: {  	[sflag:s0] =	ssyncadd.remote.s32 $0x1  }
0xbf: {  	_ =	sfence.sel $0xFFFF  }
0xc0: {  	[dreg:$0x0] =	wrdreg $0xFFFFFFFF;
	(pc) =	sbr.abs _section_cstart, $3  }
0xc1: {  	[dreg:$0x1] =	wrdreg $0xFFFFFFFF  }
0xc2: {  	_ =	task.clear_ibuf [dreg:s7], $0x2FFFF;
	_ =	strace $0x9FFFFFFF  }
0xc3: {  	(tm) =	ssettm $0x7FFFFFFF  }
tec
execute0_lowered:
.L_overlay_start_1:
0x0: {  	(tag) =	ssettag $0x1  }
0x1: {  	s1 =	rddreg [dreg:$0x0]  }
0x2: {  	s0 =	rddreg [dreg:$0x1]  }
0x3: {  	s3 =	rddreg [dreg:$0x2]  }
0x4: {  	s2 =	srdreg.scid;
	s13 =	stileid.u32  }
0x5: {  	s4 =	simm.s32 $0x0;
	s28 =	simm.s32 $0x1;
	s6 =	smul.u32 $0x14000, s13  }
0x6: {  	s29 =	simm.s32 $0x140;
	s30 =	simm.s32 $0x2;
	s11 =	smul.u32 $0x50000, s13  }
0x7: {  	s31 =	simm.s32 $0x2A80;
	s2 =	sand.u32 $0x1, s2;
	s25 =	smul.u32 $0x2710, s13  }
0x8: {  	[smem:$0x7FF] =	sst s4;
	s12 =	sadd.s32 $0x29800, s0;
	s7 =	smul.u32 $0x140000, s2  }
0x9: {  	s5 =	sshll.u32 s2, $0x4;
	_ =	strace $0x80000047;
	s10 =	ssub.s32 $0x2, s2  }
0xa: {  	[dreg:$0xa] =	wrdreg s12;
	s2 =	smul.u32 $0x27100, s2;
	s12 =	simm.s32 $0x4  }
0xb: {  	s8 =	sor.u32 s13, s5;
	s5 =	sadd.s32 $0x1800, s0;
	s19 =	sshrl.u32 s10, $0x1  }
0xc: {  	s20 =	sshrl.u32 s11, $0x2;
	s11 =	simm.s32 $0x8;
	s9 =	smul.u32 $0x500, s8  }
0xd: {  	s7 =	sadd.s32 s6, s7;
	s21 =	sadd.s32 s20, s3;
	s8 =	smul.u32 $0x2710, s8  }
0xe: {  	s2 =	sadd.s32 s25, s2;
	s25 =	simm.s32 $0x190;
	s7 =	sshrl.u32 s7, $0x3  }
0xf: {  	s22 =	sadd.s32 $0x5000, s21;
	s23 =	sadd.s32 $0x7800, s21;
	[dreg:$0x8] =	wrdreg s25  }
0x10: {  	s24 =	sadd.s32 $0xA000, s21;
	s26 =	sadd.s32 $0xC800, s21;
	[dreg:$0xc] =	wrdreg s22  }
0x11: {  	s13 =	sadd.s32 $0xF000, s21;
	s16 =	sadd.s32 $0x190, s2;
	[dreg:$0xd] =	wrdreg s23  }
0x12: {  	s25 =	simm.s32 $0x4E200;
	s18 =	sadd.s32 s7, s0;
	[dreg:$0xe] =	wrdreg s24  }
0x13: {  	s0 =	sadd.s32 s9, s0;
	s9 =	ssub.s32 s10, s19;
	[dreg:$0xf] =	wrdreg s26  }
0x14: {  	s7 =	sadd.s32 s6, s3;
	s10 =	sadd.s32 $0x2800, s21;
	[dreg:$0x10] =	wrdreg s13  }
0x15: {  	s8 =	sshrl.u32 s8, $0x3;
	s6 =	sadd.s32 $0x11800, s21;
	s17 =	sshrl.u32 s16, $0x3  }
0x16: {  	s19 =	sadd.s32 $0xA0, s2;
	s16 =	sadd.s32 $0x140, s2;
	s24 =	simm.s32 $0xF0  }
0x17: {  	s26 =	simm.s32 $0x230;
	s13 =	simm.s32 $0x0;
	[dreg:$0xb] =	wrdreg s10  }
0x18: {  	[dreg:$0x11] =	wrdreg s6;
	s14 =	sadd.s32 s1, s8;
	s15 =	sadd.s32 $0x33E00, s18  }
0x19: {  	s0 =	sadd.s32 $0x29E00, s0;
	s18 =	sadd.s32 $0xF0, s2;
	[dreg:$0x7] =	wrdreg s24  }
0x1a: {  	s21 =	sshrl.u32 s19, $0x3;
	s22 =	smax.u32 s9, $0x1;
	[dreg:$0x9] =	wrdreg s26  }
0x1b: {  	s24 =	simm.s32 $0x50;
	s26 =	simm.s32 $0xA0;
	[dreg:$0x12] =	wrdreg s14  }
0x1c: {  	s2 =	simm.s32 $0x5;
	s8 =	simm.s32 $0x1E0;
	[dreg:$0x14] =	wrdreg s15  }
0x1d: {  	s9 =	simm.s32 $0x3;
	s10 =	simm.s32 $0x6;
	[dreg:$0x15] =	wrdreg s0  }
0x1e: {  	s6 =	sadd.s32 $0xA, s14;
	s0 =	sadd.s32 s17, s1;
	[dreg:$0x16] =	wrdreg s22  }
0x1f: {  	s23 =	sadd.s32 s21, s1;
	s21 =	simm.s32 $0x5280;
	[dreg:$0x13] =	wrdreg s6  }
0x20: {  	s22 =	simm.s32 $0x9;
	s6 =	sshrl.u32 s18, $0x3;
	[dreg:$0x4] =	wrdreg s0  }
0x21: {  	[dreg:$0x6] =	wrdreg s23;
	s23 =	simm.s32 $0x280;
	s20 =	sadd.s32 s6, s1  }
0x22: {  	v0 =	vimm.f32 $0.0e+00;
	s0 =	simm.s32 $0x7A80;
	s6 =	simm.s32 $0x7;
	[dreg:$0x5] =	wrdreg s20  }
.LBB2_1:
0x23: {  	s14 =	rddreg [dreg:$0xa]  }
0x24: {  	[tilespmem:s21], [sflag:$0x9] =	stream.linear.gather [hbm4b:s14+s4], $0x2800, $0x38;
	[tilespmem:$0x1E280] =	vst v63  }
0x25: {  	_ =	swait.ge [sflag:s22], $0x2800  }
0x26: {  	[sflag:s22] =	ssyncset.done $0x0  }
0x27: {  	s14 =	simm.s32 $0x0;
	[sflag:s22] =	ssyncadd.s32 $0xFFFFD800  }
.LBB2_2:
0x28: {  	p0 =	sne.s32 s14, $0x9FC0  }
.Ltmp0:
0x29: {  	_ = 	snop;
	(pc) =	sbr.rel @p0 .LBB2_2-.Ltmp0, $3  }
0x2a: {  	_ =	sdelay $0x1  }
0x2b: {  	s20 =	sshra.s32 s14, $0x2  }
0x2c: {  	s14 =	sadd.s32 $0x40, s14;
	[tilespmem:s20+$0x7A80] =	vst v0  }
0x2d: {  	s14 =	simm.s32 $0x0;
	s20 =	simm.s32 $0x200  }
.LBB2_4:
0x2e: {  	p0 =	sne.s32 s20, $0x9E00;
	[tilespmem:s14+$0x2F0] =	vst v0  }
0x2f: {  	[tilespmem:s14+$0x280] =	vst v0  }
0x30: {  	[tilespmem:s14+$0x290] =	vst v0  }
.Ltmp1:
0x31: {  	[tilespmem:s14+$0x2A0] =	vst v0;
	(pc) =	sbr.rel @p0 .LBB2_4-.Ltmp1, $4  }
0x32: {  	[tilespmem:s14+$0x2B0] =	vst v0  }
0x33: {  	[tilespmem:s14+$0x2C0] =	vst v0  }
0x34: {  	[tilespmem:s14+$0x2D0] =	vst v0  }
0x35: {  	[tilespmem:s14+$0x2E0] =	vst v0;
	s14 =	sshra.s32 s20, $0x2;
	s20 =	sadd.s32 $0x200, s20  }
0x36: {  	[tilespmem:s14+$0x2F0] =	vst v0  }
0x37: {  	[tilespmem:s14+$0x280] =	vst v0  }
0x38: {  	[tilespmem:s14+$0x290] =	vst v0  }
0x39: {  	[tilespmem:s14+$0x2A0] =	vst v0  }
0x3a: {  	[tilespmem:s14+$0x2B0] =	vst v0  }
0x3b: {  	[tilespmem:s14+$0x2C0] =	vst v0  }
0x3c: {  	[tilespmem:s14+$0x2D0] =	vst v0  }
0x3d: {  	[tilespmem:s14+$0x2E0] =	vst v0  }
0x3e: {  	[spmem:s7] =	stream.linear.scatter [tilespmem:s23], [sflag:$0x9], $0x2800, $0x38;
	[tilespmem:$0x1E280] =	vst v63  }
0x3f: {  	_ =	swait.ge [sflag:s22], $0x2800  }
0x40: {  	[sflag:s22] =	ssyncset.done $0x0  }
0x41: {  	s18 =	rddreg [dreg:$0xb];
	[sflag:s22] =	ssyncadd.s32 $0xFFFFD800  }
0x42: {  	[spmem:s18] =	stream.linear.scatter [tilespmem:s23], [sflag:$0x9], $0x2800, $0x38;
	[tilespmem:$0x1E280] =	vst v63  }
0x43: {  	_ =	swait.ge [sflag:s22], $0x2800  }
0x44: {  	[sflag:s22] =	ssyncset.done $0x0  }
0x45: {  	s19 =	rddreg [dreg:$0xc];
	[sflag:s22] =	ssyncadd.s32 $0xFFFFD800  }
0x46: {  	[spmem:s19] =	stream.linear.scatter [tilespmem:s23], [sflag:$0x9], $0x2800, $0x38;
	[tilespmem:$0x1E280] =	vst v63  }
0x47: {  	_ =	swait.ge [sflag:s22], $0x2800  }
0x48: {  	[sflag:s22] =	ssyncset.done $0x0  }
0x49: {  	s20 =	rddreg [dreg:$0xd];
	[sflag:s22] =	ssyncadd.s32 $0xFFFFD800  }
0x4a: {  	[spmem:s20] =	stream.linear.scatter [tilespmem:s23], [sflag:$0x9], $0x2800, $0x38;
	[tilespmem:$0x1E280] =	vst v63  }
0x4b: {  	_ =	swait.ge [sflag:s22], $0x2800  }
0x4c: {  	[sflag:s22] =	ssyncset.done $0x0  }
0x4d: {  	s15 =	rddreg [dreg:$0xe];
	[sflag:s22] =	ssyncadd.s32 $0xFFFFD800  }
0x4e: {  	[spmem:s15] =	stream.linear.scatter [tilespmem:s23], [sflag:$0x9], $0x2800, $0x38;
	[tilespmem:$0x1E280] =	vst v63  }
0x4f: {  	_ =	swait.ge [sflag:s22], $0x2800  }
0x50: {  	[sflag:s22] =	ssyncset.done $0x0  }
0x51: {  	s17 =	rddreg [dreg:$0xf];
	[sflag:s22] =	ssyncadd.s32 $0xFFFFD800  }
0x52: {  	[spmem:s17] =	stream.linear.scatter [tilespmem:s23], [sflag:$0x9], $0x2800, $0x38;
	[tilespmem:$0x1E280] =	vst v63  }
0x53: {  	_ =	swait.ge [sflag:s22], $0x2800  }
0x54: {  	[sflag:s22] =	ssyncset.done $0x0  }
0x55: {  	s18 =	rddreg [dreg:$0x10];
	[sflag:s22] =	ssyncadd.s32 $0xFFFFD800  }
0x56: {  	[spmem:s18] =	stream.linear.scatter [tilespmem:s23], [sflag:$0x9], $0x2800, $0x38;
	[tilespmem:$0x1E280] =	vst v63  }
0x57: {  	_ =	swait.ge [sflag:s22], $0x2800  }
0x58: {  	[sflag:s22] =	ssyncset.done $0x0  }
0x59: {  	s19 =	rddreg [dreg:$0x11];
	[sflag:s22] =	ssyncadd.s32 $0xFFFFD800  }
0x5a: {  	[spmem:s19] =	stream.linear.scatter [tilespmem:s23], [sflag:$0x9], $0x2800, $0x38;
	[tilespmem:$0x1E280] =	vst v63  }
0x5b: {  	_ =	swait.ge [sflag:s22], $0x2800  }
0x5c: {  	[sflag:s22] =	ssyncset.done $0x0  }
0x5d: {  	[sflag:s22] =	ssyncadd.s32 $0xFFFFD800  }
0x5e: {  	[bflag:$0x0] =	sbarrier.arrive $0xFFFF  }
0x5f: {  	s14 =	simm.s32 $0x0;
	s15 =	rddreg [dreg:$0x12]  }
0x60: {  	[tilespmem:s14], [sflag:$0x1] =	stream.strided.gather [hbm4b:s15+s24], $0xA0, s25, s24, $0x38;
	[tilespmem:$0x1E280] =	vst v63  }
0x61: {  	s20 =	rddreg [dreg:$0x13]  }
0x62: {  	[tilespmem:s26], [sflag:$0x2] =	stream.strided.gather [hbm4b:s20+s24], $0xA0, s25, s24, $0x38;
	[tilespmem:$0x1E280] =	vst v63  }
0x63: {  	_ =	swait.ge [sflag:s28], $0xA0  }
0x64: {  	[sflag:s28] =	ssyncset.done $0x0  }
0x65: {  	s20 =	smov.u32 s16;
	[sflag:s28] =	ssyncadd.s32 $0xFFFFFF60  }
0x66: {  	[tilespmem:s23], [sflag:$0x5] =	stream.indirect.gather [hbm4b:s5+s24], $0x80, s24, s24, $0xb8;
	[tilespmem:$0x1E280] =	vst v63  }
.LBB2_6:
0x67: {  	p0 =	seq.s32 s14, $0x0  }
0x68: {  	s17 =	simm.s32 @!p0 $0x8  }
0x69: {  	_ =	swait.ge @!p0 [sflag:s17], $0x2800  }
0x6a: {  	s18 =	rddreg [dreg:$0x6];
	[sflag:s17] =	ssyncset.done @!p0 $0x0  }
0x6b: {  	[sflag:s17] =	ssyncadd.s32 @!p0 $0xFFFFD800;
	s15 =	sadd.s32 s14, s18  }
0x6c: {  	[tilespmem:s29], [sflag:$0x3] =	stream.strided.gather [hbm4b:s15+s24], $0xA0, s25, s24, $0x38;
	[tilespmem:$0x1E280] =	vst v63  }
0x6d: {  	_ =	swait.ge [sflag:s30], $0xA0  }
0x6e: {  	[sflag:s30] =	ssyncset.done $0x0  }
0x6f: {  	s18 =	rddreg [dreg:$0x7];
	[sflag:s30] =	ssyncadd.s32 $0xFFFFFF60  }
0x70: {  	[tilespmem:s31], [sflag:$0x6] =	stream.indirect.gather [hbm4b:s5+s24], $0x80, s18, s24, $0xb8;
	[tilespmem:$0x1E280] =	vst v63  }
0x71: {  	v1 =	vld [tilespmem:$0x50];
	_ =	sdelay $0x4  }
0x72: {  	v2 =	vld [tilespmem:$0x0];
	_ =	sdelay $0x2  }
0x73: {  	v1 =	vld.idx.msk [tilespmem:v1+s21+$0x0], $0xffff;
	_ =	sdelay $0x4  }
0x74: {  	[tilespmem:v2+s0+$0x0] =	vst.idx.add.f32.msk $0xffff, v1  }
0x75: {  	v1 =	vld [tilespmem:$0x60];
	_ =	sdelay $0x4  }
0x76: {  	v2 =	vld [tilespmem:$0x10];
	_ =	sdelay $0x2  }
0x77: {  	v1 =	vld.idx.msk [tilespmem:v1+s21+$0x0], $0xffff;
	_ =	sdelay $0x4  }
0x78: {  	[tilespmem:v2+s0+$0x0] =	vst.idx.add.f32.msk $0xffff, v1  }
0x79: {  	v1 =	vld [tilespmem:$0x70];
	_ =	sdelay $0x4  }
0x7a: {  	v2 =	vld [tilespmem:$0x20];
	_ =	sdelay $0x2  }
0x7b: {  	v1 =	vld.idx.msk [tilespmem:v1+s21+$0x0], $0xffff;
	_ =	sdelay $0x4  }
0x7c: {  	[tilespmem:v2+s0+$0x0] =	vst.idx.add.f32.msk $0xffff, v1  }
0x7d: {  	v1 =	vld [tilespmem:$0x80];
	_ =	sdelay $0x4  }
0x7e: {  	v2 =	vld [tilespmem:$0x30];
	_ =	sdelay $0x2  }
0x7f: {  	v1 =	vld.idx.msk [tilespmem:v1+s21+$0x0], $0xffff;
	_ =	sdelay $0x4  }
0x80: {  	[tilespmem:v2+s0+$0x0] =	vst.idx.add.f32.msk $0xffff, v1  }
0x81: {  	v1 =	vld [tilespmem:$0x90];
	_ =	sdelay $0x4  }
0x82: {  	v2 =	vld [tilespmem:$0x40];
	_ =	sdelay $0x2  }
0x83: {  	v1 =	vld.idx.msk [tilespmem:v1+s21+$0x0], $0xffff;
	_ =	sdelay $0x4  }
0x84: {  	[tilespmem:v2+s0+$0x0] =	vst.idx.add.f32.msk $0xffff, v1  }
0x85: {  	_ =	swait.ge [sflag:s2], $0x2800  }
0x86: {  	[sflag:s2] =	ssyncset.done $0x0  }
0x87: {  	[sflag:s2] =	ssyncadd.s32 $0xFFFFD800  }
0x88: {  	[spmem:s3] =	stream.indirect.scatter.add.f32 [tilespmem:s23], [sflag:$0x7], $0x80, s4, s24, $0xb8;
	[tilespmem:$0x1E280] =	vst v63  }
0x89: {  	_ =	swait.ge [sflag:s6], $0x2800  }
0x8a: {  	s19 =	rddreg [dreg:$0x5];
	[sflag:s6] =	ssyncset.done $0x0  }
0x8b: {  	[sflag:s6] =	ssyncadd.s32 $0xFFFFD800;
	s17 =	sadd.s32 s14, s19  }
0x8c: {  	[tilespmem:s8], [sflag:$0x4] =	stream.strided.gather [hbm4b:s17+s24], $0xA0, s25, s24, $0x38;
	[tilespmem:$0x1E280] =	vst v63  }
0x8d: {  	_ =	swait.ge [sflag:s9], $0xA0  }
0x8e: {  	[sflag:s9] =	ssyncset.done $0x0  }
0x8f: {  	s15 =	rddreg [dreg:$0x8];
	[sflag:s9] =	ssyncadd.s32 $0xFFFFFF60  }
0x90: {  	[tilespmem:s23], [sflag:$0x5] =	stream.indirect.gather [hbm4b:s5+s24], $0x80, s15, s24, $0xb8;
	[tilespmem:$0x1E280] =	vst v63  }
0x91: {  	v1 =	vld [tilespmem:$0xF0];
	_ =	sdelay $0x4  }
0x92: {  	v2 =	vld [tilespmem:$0xA0];
	_ =	sdelay $0x2  }
0x93: {  	v1 =	vld.idx.msk [tilespmem:v1+s21+$0x0], $0xffff;
	_ =	sdelay $0x4  }
0x94: {  	[tilespmem:v2+s0+$0x0] =	vst.idx.add.f32.msk $0xffff, v1  }
0x95: {  	v1 =	vld [tilespmem:$0x100];
	_ =	sdelay $0x4  }
0x96: {  	v2 =	vld [tilespmem:$0xB0];
	_ =	sdelay $0x2  }
0x97: {  	v1 =	vld.idx.msk [tilespmem:v1+s21+$0x0], $0xffff;
	_ =	sdelay $0x4  }
0x98: {  	[tilespmem:v2+s0+$0x0] =	vst.idx.add.f32.msk $0xffff, v1  }
0x99: {  	v1 =	vld [tilespmem:$0x110];
	_ =	sdelay $0x4  }
0x9a: {  	v2 =	vld [tilespmem:$0xC0];
	_ =	sdelay $0x2  }
0x9b: {  	v1 =	vld.idx.msk [tilespmem:v1+s21+$0x0], $0xffff;
	_ =	sdelay $0x4  }
0x9c: {  	[tilespmem:v2+s0+$0x0] =	vst.idx.add.f32.msk $0xffff, v1  }
0x9d: {  	v1 =	vld [tilespmem:$0x120];
	_ =	sdelay $0x4  }
0x9e: {  	v2 =	vld [tilespmem:$0xD0];
	_ =	sdelay $0x2  }
0x9f: {  	v1 =	vld.idx.msk [tilespmem:v1+s21+$0x0], $0xffff;
	_ =	sdelay $0x4  }
0xa0: {  	[tilespmem:v2+s0+$0x0] =	vst.idx.add.f32.msk $0xffff, v1  }
0xa1: {  	v1 =	vld [tilespmem:$0x130];
	_ =	sdelay $0x4  }
0xa2: {  	v2 =	vld [tilespmem:$0xE0];
	_ =	sdelay $0x2  }
0xa3: {  	v1 =	vld.idx.msk [tilespmem:v1+s21+$0x0], $0xffff;
	_ =	sdelay $0x4  }
0xa4: {  	[tilespmem:v2+s0+$0x0] =	vst.idx.add.f32.msk $0xffff, v1  }
0xa5: {  	_ =	swait.ge [sflag:s10], $0x2800  }
0xa6: {  	[sflag:s10] =	ssyncset.done $0x0  }
0xa7: {  	[sflag:s10] =	ssyncadd.s32 $0xFFFFD800  }
0xa8: {  	[spmem:s3] =	stream.indirect.scatter.add.f32 [tilespmem:s31], [sflag:$0x8], $0x80, s26, s24, $0xb8;
	[tilespmem:$0x1E280] =	vst v63  }
0xa9: {  	_ =	swait.ge [sflag:s11], $0x2800  }
0xaa: {  	s18 =	sshrl.u32 s20, $0x3;
	[sflag:s11] =	ssyncset.done $0x0  }
0xab: {  	s17 =	sadd.s32 s1, s18;
	[sflag:s11] =	ssyncadd.s32 $0xFFFFD800  }
0xac: {  	[tilespmem:s4], [sflag:$0x1] =	stream.strided.gather [hbm4b:s17+s24], $0xA0, s25, s24, $0x38;
	[tilespmem:$0x1E280] =	vst v63  }
0xad: {  	_ =	swait.ge [sflag:s12], $0xA0  }
0xae: {  	[sflag:s12] =	ssyncset.done $0x0  }
0xaf: {  	s19 =	rddreg [dreg:$0x9];
	[sflag:s12] =	ssyncadd.s32 $0xFFFFFF60  }
0xb0: {  	[tilespmem:s31], [sflag:$0x6] =	stream.indirect.gather [hbm4b:s5+s24], $0x80, s19, s24, $0xb8;
	[tilespmem:$0x1E280] =	vst v63  }
0xb1: {  	v1 =	vld [tilespmem:$0x190];
	_ =	sdelay $0x4  }
0xb2: {  	v2 =	vld [tilespmem:$0x140];
	_ =	sdelay $0x2  }
0xb3: {  	v1 =	vld.idx.msk [tilespmem:v1+s21+$0x0], $0xffff;
	_ =	sdelay $0x4  }
0xb4: {  	[tilespmem:v2+s0+$0x0] =	vst.idx.add.f32.msk $0xffff, v1  }
0xb5: {  	v1 =	vld [tilespmem:$0x1A0];
	_ =	sdelay $0x4  }
0xb6: {  	v2 =	vld [tilespmem:$0x150];
	_ =	sdelay $0x2  }
0xb7: {  	v1 =	vld.idx.msk [tilespmem:v1+s21+$0x0], $0xffff;
	_ =	sdelay $0x4  }
0xb8: {  	[tilespmem:v2+s0+$0x0] =	vst.idx.add.f32.msk $0xffff, v1  }
0xb9: {  	v1 =	vld [tilespmem:$0x1B0];
	_ =	sdelay $0x4  }
0xba: {  	v2 =	vld [tilespmem:$0x160];
	_ =	sdelay $0x2  }
0xbb: {  	v1 =	vld.idx.msk [tilespmem:v1+s21+$0x0], $0xffff;
	_ =	sdelay $0x4  }
0xbc: {  	[tilespmem:v2+s0+$0x0] =	vst.idx.add.f32.msk $0xffff, v1  }
0xbd: {  	v1 =	vld [tilespmem:$0x1C0];
	_ =	sdelay $0x4  }
0xbe: {  	v2 =	vld [tilespmem:$0x170];
	_ =	sdelay $0x2  }
0xbf: {  	v1 =	vld.idx.msk [tilespmem:v1+s21+$0x0], $0xffff;
	_ =	sdelay $0x4  }
0xc0: {  	[tilespmem:v2+s0+$0x0] =	vst.idx.add.f32.msk $0xffff, v1  }
0xc1: {  	v1 =	vld [tilespmem:$0x1D0];
	_ =	sdelay $0x4  }
0xc2: {  	v2 =	vld [tilespmem:$0x180];
	_ =	sdelay $0x2  }
0xc3: {  	v1 =	vld.idx.msk [tilespmem:v1+s21+$0x0], $0xffff;
	_ =	sdelay $0x4  }
0xc4: {  	[tilespmem:v2+s0+$0x0] =	vst.idx.add.f32.msk $0xffff, v1  }
0xc5: {  	_ =	swait.ge [sflag:s2], $0x2800  }
0xc6: {  	[sflag:s2] =	ssyncset.done $0x0  }
0xc7: {  	p0 =	seq.s32 s14, $0x4B0;
	[sflag:s2] =	ssyncadd.s32 $0xFFFFD800  }
0xc8: {  	[spmem:s3] =	stream.indirect.scatter.add.f32 [tilespmem:s23], [sflag:$0x7], $0x80, s29, s24, $0xb8;
	[tilespmem:$0x1E280] =	vst v63  }
0xc9: {  	s18 =	simm.s32 @!p0 $0x50;
	_ =	swait.ge [sflag:s6], $0x2800  }
0xca: {  	s15 =	simm.s32 @!p0 $0x4E200;
	s17 =	rddreg [dreg:$0x4];
	[sflag:s6] =	ssyncset.done $0x0  }
0xcb: {  	s19 =	simm.s32 @!p0 $0xA0;
	[sflag:s6] =	ssyncadd.s32 $0xFFFFD800;
	s17 =	sadd.s32 @!p0 s14, s17  }
0xcc: {  	[tilespmem:s19], [sflag:$0x2] =	stream.strided.gather @!p0 [hbm4b:s17+s18], $0xA0, s15, s18, $0x38;
	[tilespmem:$0x1E280] =	vst v63  }
0xcd: {  	_ =	swait.ge [sflag:s28], $0xA0  }
0xce: {  	[sflag:s28] =	ssyncset.done $0x0  }
0xcf: {  	[sflag:s28] =	ssyncadd.s32 $0xFFFFFF60  }
0xd0: {  	[tilespmem:s23], [sflag:$0x5] =	stream.indirect.gather [hbm4b:s5+s24], $0x80, s24, s24, $0xb8;
	[tilespmem:$0x1E280] =	vst v63  }
0xd1: {  	v1 =	vld [tilespmem:$0x230];
	_ =	sdelay $0x4  }
0xd2: {  	v2 =	vld [tilespmem:$0x1E0];
	_ =	sdelay $0x2  }
0xd3: {  	v1 =	vld.idx.msk [tilespmem:v1+s21+$0x0], $0xffff;
	_ =	sdelay $0x4  }
0xd4: {  	[tilespmem:v2+s0+$0x0] =	vst.idx.add.f32.msk $0xffff, v1  }
0xd5: {  	v1 =	vld [tilespmem:$0x240];
	_ =	sdelay $0x4  }
0xd6: {  	v2 =	vld [tilespmem:$0x1F0];
	_ =	sdelay $0x2  }
0xd7: {  	v1 =	vld.idx.msk [tilespmem:v1+s21+$0x0], $0xffff;
	_ =	sdelay $0x4  }
0xd8: {  	[tilespmem:v2+s0+$0x0] =	vst.idx.add.f32.msk $0xffff, v1  }
0xd9: {  	v1 =	vld [tilespmem:$0x250];
	_ =	sdelay $0x4  }
0xda: {  	v2 =	vld [tilespmem:$0x200];
	_ =	sdelay $0x2  }
0xdb: {  	v1 =	vld.idx.msk [tilespmem:v1+s21+$0x0], $0xffff;
	_ =	sdelay $0x4  }
0xdc: {  	[tilespmem:v2+s0+$0x0] =	vst.idx.add.f32.msk $0xffff, v1  }
0xdd: {  	v1 =	vld [tilespmem:$0x260];
	_ =	sdelay $0x4  }
0xde: {  	v2 =	vld [tilespmem:$0x210];
	_ =	sdelay $0x2  }
0xdf: {  	v1 =	vld.idx.msk [tilespmem:v1+s21+$0x0], $0xffff;
	_ =	sdelay $0x4  }
0xe0: {  	[tilespmem:v2+s0+$0x0] =	vst.idx.add.f32.msk $0xffff, v1  }
0xe1: {  	v1 =	vld [tilespmem:$0x270];
	_ =	sdelay $0x4  }
0xe2: {  	v2 =	vld [tilespmem:$0x220];
	_ =	sdelay $0x2  }
0xe3: {  	v1 =	vld.idx.msk [tilespmem:v1+s21+$0x0], $0xffff;
	_ =	sdelay $0x2  }
0xe4: {  	s14 =	sadd.s32 $0x28, s14  }
0xe5: {  	p0 =	sne.s32 s14, $0x4D8  }
.Ltmp2:
0xe6: {  	[tilespmem:v2+s0+$0x0] =	vst.idx.add.f32.msk $0xffff, v1;
	(pc) =	sbr.rel @p0 .LBB2_6-.Ltmp2, $4  }
0xe7: {  	_ =	swait.ge [sflag:s10], $0x2800  }
0xe8: {  	[sflag:s10] =	ssyncset.done $0x0  }
0xe9: {  	s20 =	sadd.s32 $0x140, s20;
	[sflag:s10] =	ssyncadd.s32 $0xFFFFD800  }
0xea: {  	[spmem:s3] =	stream.indirect.scatter.add.f32 [tilespmem:s31], [sflag:$0x8], $0x80, s8, s24, $0xb8;
	[tilespmem:$0x1E280] =	vst v63  }
0xeb: {  	_ =	swait.ge [sflag:s11], $0x2800  }
0xec: {  	[sflag:s11] =	ssyncset.done $0x0  }
0xed: {  	[sflag:s11] =	ssyncadd.s32 $0xFFFFD800  }
0xee: {  	v1 =	vld [tilespmem:$0x50];
	_ =	sdelay $0x4  }
0xef: {  	v2 =	vld [tilespmem:$0x0];
	_ =	sdelay $0x2  }
0xf0: {  	v1 =	vld.idx.msk [tilespmem:v1+s21+$0x0], $0xffff;
	_ =	sdelay $0x4  }
0xf1: {  	[tilespmem:v2+s0+$0x0] =	vst.idx.add.f32.msk $0xffff, v1  }
0xf2: {  	v1 =	vld [tilespmem:$0x60];
	_ =	sdelay $0x4  }
0xf3: {  	v2 =	vld [tilespmem:$0x10];
	_ =	sdelay $0x2  }
0xf4: {  	v1 =	vld.idx.msk [tilespmem:v1+s21+$0x0], $0xffff;
	_ =	sdelay $0x4  }
0xf5: {  	[tilespmem:v2+s0+$0x0] =	vst.idx.add.f32.msk $0xffff, v1  }
0xf6: {  	v1 =	vld [tilespmem:$0x70];
	_ =	sdelay $0x4  }
0xf7: {  	v2 =	vld [tilespmem:$0x20];
	_ =	sdelay $0x2  }
0xf8: {  	v1 =	vld.idx.msk [tilespmem:v1+s21+$0x0], $0xffff;
	_ =	sdelay $0x4  }
0xf9: {  	[tilespmem:v2+s0+$0x0] =	vst.idx.add.f32.msk $0xffff, v1  }
0xfa: {  	v1 =	vld [tilespmem:$0x80];
	_ =	sdelay $0x4  }
0xfb: {  	v2 =	vld [tilespmem:$0x30];
	_ =	sdelay $0x2  }
0xfc: {  	v1 =	vld.idx.msk [tilespmem:v1+s21+$0x0], $0xffff;
	_ =	sdelay $0x4  }
0xfd: {  	[tilespmem:v2+s0+$0x0] =	vst.idx.add.f32.msk $0xffff, v1  }
0xfe: {  	v1 =	vld [tilespmem:$0x90];
	_ =	sdelay $0x4  }
0xff: {  	v2 =	vld [tilespmem:$0x40];
	_ =	sdelay $0x2  }
0x100: {  	v1 =	vld.idx.msk [tilespmem:v1+s21+$0x0], $0xffff;
	_ =	sdelay $0x4  }
0x101: {  	[tilespmem:v2+s0+$0x0] =	vst.idx.add.f32.msk $0xffff, v1  }
0x102: {  	_ =	swait.ge [sflag:s2], $0x2800  }
0x103: {  	[sflag:s2] =	ssyncset.done $0x0  }
0x104: {  	[sflag:s2] =	ssyncadd.s32 $0xFFFFD800  }
0x105: {  	[spmem:s3] =	stream.indirect.scatter.add.f32 [tilespmem:s23], [sflag:$0x9], $0x80, s4, s24, $0xb8;
	[tilespmem:$0x1E280] =	vst v63  }
0x106: {  	_ =	swait.ge [sflag:s22], $0x2800  }
0x107: {  	[sflag:s22] =	ssyncset.done $0x0  }
0x108: {  	s14 =	stileid.u32;
	[sflag:s22] =	ssyncadd.s32 $0xFFFFD800  }
0x109: {  	s14 =	sshll.u32 s14, $0x6;
	[bflag:$0x0] =	sbarrier.arrive $0xFFFF  }
0x10a: {  	s15 =	sshrl.u32 s7, $0x3;
	s14 =	sor.u32 $0x1C09, s14;
	s17 =	rddreg [dreg:$0x14]  }
0x10b: {  	[hbm:s17], [sflag:s14] =	dma.local [spmem:s15], $0x2800  }
0x10c: {  	_ =	swait.ge [sflag:s22], $0x2800  }
0x10d: {  	[sflag:s22] =	ssyncset.done $0x0  }
0x10e: {  	s19 =	rddreg [dreg:$0x15];
	[sflag:s22] =	ssyncadd.s32 $0xFFFFD800  }
0x10f: {  	[hbm4b:s19+s4] =	stream.linear.scatter [tilespmem:s0], [sflag:$0x9], $0x2800, $0x38;
	[tilespmem:$0x1E280] =	vst v63  }
0x110: {  	_ =	swait.ge [sflag:s22], $0x2800  }
0x111: {  	s13 =	sadd.s32 $0x1, s13;
	s20 =	rddreg [dreg:$0x16]  }
0x112: {  	p0 =	sne.s32 s13, s20  }
.Ltmp3:
0x113: {  	_ = 	snop;
	(pc) =	sbr.rel @p0 .LBB2_1-.Ltmp3, $3  }
0x114: {  	_ =	sdelay $0x1  }
0x115: {  	[sflag:s22] =	ssyncset.done $0x0  }
0x116: {  	[sflag:s22] =	ssyncadd.s32 $0xFFFFD800  }
0x117: {  	_ =	sfence.sel $0x180000  }
0x118: {  	[bflag:$0x0] =	sbarrier.arrive $0xFFFF  }
0x119: {  	_ =	strace $0x90000047  }
0x11a: {  	s0 =	stileid.u32;
	[bflag:$0x2] =	sbarrier.arrive $0xFFFF  }
0x11b: {  	p0 =	sne.s32 s0, $0x0;
	s0 =	rddreg [dreg:$0x3]  }
0x11c: {  	s0 =	sadd.s32 @!p0 $0x100000, s0  }
0x11d: {  	[sflag:s0] =	ssyncadd.tile.s32 @!p0 $0x1;
	_ =	shalt  }
.Lfunc_end2:
_tile_overlayer_lowered:
.L_overlay_start_2:
0x11e: {  	(tag) =	ssettag $0x2  }
0x11f: {  	s0 =	rddreg [dreg:$0x0];
	s2 =	stileid.u32  }
0x120: {  	s1 =	rddreg [dreg:$0x1];
	p0 =	sne.s32 s2, $0x0  }
0x121: {  	s3 =	rddreg [dreg:$0x2];
	[bflag:$0x3] =	sbarrier.arrive $0xFFFF;
	s2 =	simm.s32 @!p0 $0x1C09  }
0x122: {  	[timem:s3], [sflag:s2] =	dma.local @!p0 [hbm:s0], s1  }
0x123: {  	s0 =	simm.s32 @!p0 $0x9  }
0x124: {  	_ =	swait.ge @!p0 [sflag:s0], s1  }
0x125: {  	s1 =	ssub.s32 @!p0 $0x0, s1;
	[sflag:s0] =	ssyncset.done @!p0 $0x0  }
0x126: {  	[sflag:s0] =	ssyncadd.s32 @!p0 s1  }
0x127: {  	[bflag:$0x3] =	sbarrier.arrive $0xFFFF  }
0x128: {  	_ =	shalt  }

</sc_bundles>
